<compile_context>
chip_gen: v7x
topology: tpu7x:2x2x1
jax: 0.10.2.dev20260603
libtpu: 0.0.44.dev20260713+nightly
codegen_flags: <defaults>
</compile_context>

<pallas_src>
import functools
import math

import jax
import jax.numpy as jnp
from jax.experimental import pallas as pl
from jax.experimental.pallas import tpu as pltpu
from jax.experimental.pallas import tpu_sc as plsc

S = 2048
D = 1024
H = 16
DH = 64
E = 64
TOPK = 2
CAP = int(math.ceil(S * TOPK / E * 1.25))
EPS = 1e-5
NSLOT = E * CAP
NPAIR = S * TOPK

f32 = jnp.float32
bf16 = jnp.bfloat16
i32 = jnp.int32

SC_NC = 2
SC_NS = 16
SC_NW = SC_NC * SC_NS



def _mm_body_multi(x_ref, *refs):
    o_ref = refs[-1]
    nw = len(refs) // 2
    x = x_ref[...].astype(bf16)
    col = 0
    for i in range(nw):
        w = refs[2 * i][...].astype(bf16)
        b = refs[2 * i + 1][...]
        n = w.shape[1]
        acc = jnp.dot(x, w, preferred_element_type=f32) + b
        o_ref[:, col:col + n] = acc.astype(o_ref.dtype)
        col += n


def _matmul_bias(x_bf, wbs, out_dtype, bm=256):
    m, k = x_bf.shape
    ns = [w.shape[1] for w, _ in wbs]
    ntot = sum(ns)
    in_specs = [pl.BlockSpec((bm, k), lambda i: (i, 0))]
    args = [x_bf]
    for w, b in wbs:
        n = w.shape[1]
        in_specs.append(pl.BlockSpec((k, n), lambda i: (0, 0)))
        in_specs.append(pl.BlockSpec((1, n), lambda i: (0, 0)))
        args.append(w)
        args.append(b.reshape(1, n))
    return pl.pallas_call(
        _mm_body_multi,
        grid=(m // bm,),
        in_specs=in_specs,
        out_specs=pl.BlockSpec((bm, ntot), lambda i: (i, 0)),
        out_shape=jax.ShapeDtypeStruct((m, ntot), out_dtype),
    )(*args)



def _attn_body(q_ref, k_ref, v_ref, o_ref):
    qq = q_ref[...]
    kk = k_ref[...]
    outs = []
    for h in range(2):
        q = qq[:, h * DH:(h + 1) * DH]
        k = kk[:, h * DH:(h + 1) * DH]
        s = jax.lax.dot_general(q, k, (((1,), (1,)), ((), ())),
                                preferred_element_type=f32) * (1.0 / 8.0)
        m = jnp.max(s, axis=-1, keepdims=True)
        p = jnp.exp(s - m)
        p = p * (1.0 / jnp.sum(p, axis=-1, keepdims=True))
        v = v_ref[:, h * DH:(h + 1) * DH]
        outs.append(jnp.dot(p.astype(bf16), v, preferred_element_type=f32))
    o_ref[...] = jnp.concatenate(outs, axis=1).astype(bf16)


def _flash_attn(q_arr, kv_arr, q_cb, k_cb, v_cb, bq=512):
    nhp = H // 2
    return pl.pallas_call(
        _attn_body,
        grid=(nhp, S // bq),
        in_specs=[
            pl.BlockSpec((bq, 2 * DH), lambda hp, qb, o=q_cb: (qb, o + hp)),
            pl.BlockSpec((S, 2 * DH), lambda hp, qb, o=k_cb: (0, o + hp)),
            pl.BlockSpec((S, 2 * DH), lambda hp, qb, o=v_cb: (0, o + hp)),
        ],
        out_specs=pl.BlockSpec((bq, 2 * DH), lambda hp, qb: (qb, hp)),
        out_shape=jax.ShapeDtypeStruct((S, D), bf16),
    )(q_arr, kv_arr, kv_arr)



def _proj_ln_body(a_ref, w_ref, b_ref, res_ref, g_ref, bb_ref, of_ref, ob_ref):
    y = jnp.dot(a_ref[...], w_ref[...].astype(bf16),
                preferred_element_type=f32)
    y = y + b_ref[...] + res_ref[...]
    mu = jnp.mean(y, axis=-1, keepdims=True)
    var = jnp.mean((y - mu) ** 2, axis=-1, keepdims=True)
    z = (y - mu) / jnp.sqrt(var + EPS) * g_ref[...] + bb_ref[...]
    of_ref[...] = z
    ob_ref[...] = z.astype(bf16)


def _proj_res_ln(a_bf, w_bf, b, res, g, bb, bm=256):
    return pl.pallas_call(
        _proj_ln_body,
        grid=(S // bm,),
        in_specs=[
            pl.BlockSpec((bm, D), lambda i: (i, 0)),
            pl.BlockSpec((D, D), lambda i: (0, 0)),
            pl.BlockSpec((1, D), lambda i: (0, 0)),
            pl.BlockSpec((bm, D), lambda i: (i, 0)),
            pl.BlockSpec((1, D), lambda i: (0, 0)),
            pl.BlockSpec((1, D), lambda i: (0, 0)),
        ],
        out_specs=(
            pl.BlockSpec((bm, D), lambda i: (i, 0)),
            pl.BlockSpec((bm, D), lambda i: (i, 0)),
        ),
        out_shape=(
            jax.ShapeDtypeStruct((S, D), f32),
            jax.ShapeDtypeStruct((S, D), bf16),
        ),
    )(a_bf, w_bf, b.reshape(1, D), res, g.reshape(1, D), bb.reshape(1, D))



def _route_body(x_ref, w_ref, b_ref, slot_ref, pw_ref, src_ref):
    logits = jnp.dot(x_ref[...], w_ref[...].astype(bf16),
                     preferred_element_type=f32)
    logits = logits + b_ref[...]
    mx = jnp.max(logits, axis=-1, keepdims=True)
    ex = jnp.exp(logits - mx)
    probs = ex / jnp.sum(ex, axis=-1, keepdims=True)

    cols = jax.lax.broadcasted_iota(i32, (S, E), 1)
    m1 = jnp.max(probs, axis=-1, keepdims=True)
    i1 = jnp.min(jnp.where(probs == m1, cols, E), axis=-1, keepdims=True)
    probs_m = jnp.where(cols == i1, -jnp.float32(1e30), probs)
    m2 = jnp.max(probs_m, axis=-1, keepdims=True)
    i2 = jnp.min(jnp.where(probs_m == m2, cols, E), axis=-1, keepdims=True)
    gsum = m1 + m2
    g1 = m1 / gsum
    g2 = m2 / gsum

    ohE = (cols == i1).astype(f32)
    ohO = (cols == i2).astype(f32)

    cb = 256
    r_i = jax.lax.broadcasted_iota(i32, (cb, cb), 0)
    c_i = jax.lax.broadcasted_iota(i32, (cb, cb), 1)
    lt = (r_i >= c_i).astype(f32)
    dnum = (((0,), (0,)), ((), ()))
    pos0_parts = []
    pos1_parts = []
    carryE = jnp.zeros((1, E), f32)
    carryO = jnp.zeros((1, E), f32)
    for ci in range(S // cb):
        sl = slice(ci * cb, (ci + 1) * cb)
        ohE_c = ohE[sl]
        ohO_c = ohO[sl]
        ce = jnp.dot(lt, ohE_c, preferred_element_type=f32) + carryE
        co = jnp.dot(lt, ohO_c, preferred_element_type=f32) + carryO
        tot = ce + co
        pos0_parts.append(
            jnp.sum((tot - ohO_c) * ohE_c, axis=-1, keepdims=True) - 1.0)
        pos1_parts.append(jnp.sum(tot * ohO_c, axis=-1, keepdims=True) - 1.0)
        carryE = ce[cb - 1:cb, :]
        carryO = co[cb - 1:cb, :]
    pos0 = jnp.concatenate(pos0_parts, axis=0)
    pos1 = jnp.concatenate(pos1_parts, axis=0)

    keep0 = (pos0 < CAP).astype(f32)
    keep1 = (pos1 < CAP).astype(f32)
    posc0 = jnp.minimum(pos0, CAP - 1.0)
    posc1 = jnp.minimum(pos1, CAP - 1.0)

    slot_ref[:, 0:1] = i1 * CAP + posc0.astype(i32)
    slot_ref[:, 1:2] = i2 * CAP + posc1.astype(i32)
    pw_ref[:, 0:1] = g1 * keep0
    pw_ref[:, 1:2] = g2 * keep1

    ccap = jax.lax.broadcasted_iota(i32, (S, CAP), 1).astype(f32)
    t_f = jax.lax.broadcasted_iota(i32, (S, 1), 0).astype(f32)
    th = jnp.floor(t_f / 32.0)
    tl = t_f - 32.0 * th
    src = jnp.zeros((E, CAP), f32)
    for oh_k, posc_k, keep_k in ((ohE, posc0, keep0), (ohO, posc1, keep1)):
        ohc = (ccap == posc_k).astype(f32) * keep_k
        src = src + 32.0 * jax.lax.dot_general(
            oh_k, ohc * th, dnum, preferred_element_type=f32)
        src = src + jax.lax.dot_general(
            oh_k, ohc * tl, dnum, preferred_element_type=f32)
    src_ref[...] = src.astype(i32)


def _route_dispatch(x_bf, rw_bf, rb):
    return pl.pallas_call(
        _route_body,
        in_specs=[
            pl.BlockSpec((S, D), lambda: (0, 0)),
            pl.BlockSpec((D, E), lambda: (0, 0)),
            pl.BlockSpec((1, E), lambda: (0, 0)),
        ],
        out_specs=(
            pl.BlockSpec((S, TOPK), lambda: (0, 0)),
            pl.BlockSpec((S, TOPK), lambda: (0, 0)),
            pl.BlockSpec((E, CAP), lambda: (0, 0)),
        ),
        out_shape=(
            jax.ShapeDtypeStruct((S, TOPK), i32),
            jax.ShapeDtypeStruct((S, TOPK), f32),
            jax.ShapeDtypeStruct((E, CAP), i32),
        ),
    )(x_bf, rw_bf, rb.reshape(1, E))



def _sc_gather(table, idx, nrows, chunk):
    b_per_w = nrows // SC_NW
    nch = b_per_w // chunk
    mesh = plsc.VectorSubcoreMesh(core_axis_name="c", subcore_axis_name="s")

    @functools.partial(
        pl.kernel,
        mesh=mesh,
        out_type=jax.ShapeDtypeStruct((nrows, D), f32),
        scratch_types=[
            pltpu.VMEM((chunk,), i32),
            pltpu.VMEM((chunk, D), f32),
            pltpu.SemaphoreType.DMA,
        ],
    )
    def k(table_hbm, idx_hbm, out_hbm, idx_v, rows_v, sem):
        wid = jax.lax.axis_index("s") * SC_NC + jax.lax.axis_index("c")
        base = wid * b_per_w
        for ci in range(nch):
            off = base + ci * chunk
            pltpu.sync_copy(idx_hbm.at[pl.ds(off, chunk)], idx_v)
            pltpu.async_copy(table_hbm.at[idx_v], rows_v, sem).wait()
            pltpu.sync_copy(rows_v, out_hbm.at[pl.ds(off, chunk)])

    return k(table, idx)



def _ffn_body(src_ref, x_ref, w1_ref, b1_ref, w2_ref, b2_ref, y_ref, buf):
    e = pl.program_id(0)

    def cp(c, carry):
        s = src_ref[e * CAP + c]
        buf[pl.ds(c, 1), :] = x_ref[pl.ds(s, 1), :]
        return carry

    jax.lax.fori_loop(0, CAP, cp, 0, unroll=8)
    xb = buf[...].astype(bf16)
    w1 = w1_ref[0].astype(bf16)
    h = jnp.dot(xb, w1, preferred_element_type=f32) + b1_ref[0]
    h = jnp.maximum(h, 0.0)
    w2 = w2_ref[0].astype(bf16)
    y = jnp.dot(h.astype(bf16), w2, preferred_element_type=f32) + b2_ref[0]
    y_ref[...] = y


def _expert_ffn(src_tok, xf, w1, b1, w2, b2):
    dff = w1.shape[2]
    grid_spec = pltpu.PrefetchScalarGridSpec(
        num_scalar_prefetch=1,
        grid=(E,),
        in_specs=[
            pl.BlockSpec((S, D), lambda e, src: (0, 0)),
            pl.BlockSpec((1, D, dff), lambda e, src: (e, 0, 0)),
            pl.BlockSpec((1, 1, dff), lambda e, src: (e, 0, 0)),
            pl.BlockSpec((1, dff, D), lambda e, src: (e, 0, 0)),
            pl.BlockSpec((1, 1, D), lambda e, src: (e, 0, 0)),
        ],
        out_specs=pl.BlockSpec((CAP, D), lambda e, src: (e, 0)),
        scratch_shapes=[pltpu.VMEM((CAP, D), f32)],
    )
    return pl.pallas_call(
        _ffn_body,
        grid_spec=grid_spec,
        out_shape=jax.ShapeDtypeStruct((NSLOT, D), f32),
    )(src_tok, xf, w1, b1.reshape(E, 1, dff), w2, b2.reshape(E, 1, D))



def _comb_body(pr0_ref, pr1_ref, pw_ref, res_ref, g_ref, bb_ref, of_ref,
               ob_ref):
    w = pw_ref[...]
    moe = pr0_ref[...] * w[:, 0:1] + pr1_ref[...] * w[:, 1:2]
    y = res_ref[...] + moe
    mu = jnp.mean(y, axis=-1, keepdims=True)
    var = jnp.mean((y - mu) ** 2, axis=-1, keepdims=True)
    z = (y - mu) / jnp.sqrt(var + EPS) * g_ref[...] + bb_ref[...]
    of_ref[0] = z
    ob_ref[...] = z.astype(bf16)


def _combine_ln(pair_rows, pair_w, res, g, bb, bm=256):
    nb = S // bm
    return pl.pallas_call(
        _comb_body,
        grid=(nb,),
        in_specs=[
            pl.BlockSpec((bm, D), lambda i: (i, 0)),
            pl.BlockSpec((bm, D), lambda i, n=nb: (n + i, 0)),
            pl.BlockSpec((bm, TOPK), lambda i: (i, 0)),
            pl.BlockSpec((bm, D), lambda i: (i, 0)),
            pl.BlockSpec((1, D), lambda i: (0, 0)),
            pl.BlockSpec((1, D), lambda i: (0, 0)),
        ],
        out_specs=(
            pl.BlockSpec((1, bm, D), lambda i: (0, i, 0)),
            pl.BlockSpec((bm, D), lambda i: (i, 0)),
        ),
        out_shape=(
            jax.ShapeDtypeStruct((1, S, D), f32),
            jax.ShapeDtypeStruct((S, D), bf16),
        ),
    )(pair_rows, pair_rows, pair_w, res, g.reshape(1, D), bb.reshape(1, D))



def _aux_body(x_ref, w_ref, b_ref, o_ref):
    logits = jnp.dot(x_ref[...], w_ref[...].astype(bf16),
                     preferred_element_type=f32)
    logits = logits + b_ref[...]
    mx = jnp.max(logits, axis=-1, keepdims=True)
    ex = jnp.exp(logits - mx)
    probs = ex / jnp.sum(ex, axis=-1, keepdims=True)
    cols = jax.lax.broadcasted_iota(i32, (S, E), 1)
    m1 = jnp.max(probs, axis=-1, keepdims=True)
    i1 = jnp.min(jnp.where(probs == m1, cols, E), axis=-1, keepdims=True)
    probs_m = jnp.where(cols == i1, -jnp.float32(1e30), probs)
    m2 = jnp.max(probs_m, axis=-1, keepdims=True)
    i2 = jnp.min(jnp.where(probs_m == m2, cols, E), axis=-1, keepdims=True)
    oh = (cols == i1).astype(f32) + (cols == i2).astype(f32)
    f = jnp.sum(oh, axis=0, keepdims=True) / float(NPAIR)
    p = jnp.sum(probs, axis=0, keepdims=True) / float(S)
    o_ref[...] = (jnp.sum(f * p) * float(E)).reshape(1, 1)


def _aux_loss(x_bf, rw_bf, rb):
    return pl.pallas_call(
        _aux_body,
        in_specs=[
            pl.BlockSpec((S, D), lambda: (0, 0)),
            pl.BlockSpec((D, E), lambda: (0, 0)),
            pl.BlockSpec((1, E), lambda: (0, 0)),
        ],
        out_specs=pl.BlockSpec((1, 1), lambda: (0, 0)),
        out_shape=jax.ShapeDtypeStruct((1, 1), f32),
    )(x_bf, rw_bf, rb.reshape(1, E))



def kernel(x, encoder_output, sa_Wq, sa_bq, sa_Wk, sa_bk, sa_Wv, sa_bv,
           sa_Wo, sa_bo, ca_Wq, ca_bq, ca_Wk, ca_bk, ca_Wv, ca_bv, ca_Wo,
           ca_bo, ln1_g, ln1_b, ln2_g, ln2_b, ln3_g, ln3_b, router_W,
           router_b, exp_W1, exp_b1, exp_W2, exp_b2):
    x2d = x.reshape(S, D)
    enc2d = encoder_output.reshape(S, D)

    qkv = _matmul_bias(
        x2d, [(sa_Wq, sa_bq), (sa_Wk, sa_bk), (sa_Wv, sa_bv)], bf16)
    a1 = _flash_attn(qkv, qkv, 0, 8, 16)
    x1f, x1b = _proj_res_ln(a1, sa_Wo, sa_bo, x2d, ln1_g, ln1_b)

    q2 = _matmul_bias(x1b, [(ca_Wq, ca_bq)], bf16)
    kv2 = _matmul_bias(enc2d, [(ca_Wk, ca_bk), (ca_Wv, ca_bv)], bf16)
    a2 = _flash_attn(q2, kv2, 0, 0, 8)
    x2f, x2b = _proj_res_ln(a2, ca_Wo, ca_bo, x1f, ln2_g, ln2_b)

    pair_slot, pair_w, src_tok = _route_dispatch(x2b, router_W, router_b)
    y = _expert_ffn(src_tok.reshape(NSLOT), x2f, exp_W1, exp_b1, exp_W2,
                    exp_b2)
    comb_idx = pair_slot.T.reshape(NPAIR)
    pair_rows = _sc_gather(y, comb_idx, NPAIR, 64)
    x3f, x3b = _combine_ln(pair_rows, pair_w, x2f, ln3_g, ln3_b)

    aux = _aux_loss(x3b, router_W, router_b)
    return x3f, aux.reshape(())

# --- scband reference (transcript-rebuilt; emitter-appended) ---
"""Pipeline reference for scband-decoder-layer-with-mo-e-59141699666459 (READ-ONLY COPY).

The authoritative reference and input builder live on the scoring server;
editing this copy changes nothing except your own understanding.
"""

import jax, jax.numpy as jnp
import numpy as np
import math

B = 1
S = 2048
D_MODEL = 1024
N_HEADS = 16
D_FF = 1024
N_EXPERTS = 64
TOP_K = 2
CAPACITY = int(math.ceil(B * S * TOP_K / N_EXPERTS * 1.25))
EPS = 1e-5


def layer_norm(x, g, b):
    m = x.mean(-1, keepdims=True)
    v = ((x - m) ** 2).mean(-1, keepdims=True)
    return (x - m) / jnp.sqrt(v + EPS) * g + b


def mha(q_in, k_in, v_in, Wq, bq, Wk, bk, Wv, bv, Wo, bo):
    Bq, Sq, d = q_in.shape
    Sk = k_in.shape[1]
    dh = d // N_HEADS
    q = (q_in @ Wq + bq).reshape(Bq, Sq, N_HEADS, dh).transpose(0, 2, 1, 3)
    k = (k_in @ Wk + bk).reshape(Bq, Sk, N_HEADS, dh).transpose(0, 2, 1, 3)
    v = (v_in @ Wv + bv).reshape(Bq, Sk, N_HEADS, dh).transpose(0, 2, 1, 3)
    scores = jnp.einsum('bhqd,bhkd->bhqk', q, k) / math.sqrt(dh)
    attn = jax.nn.softmax(scores, axis=-1)
    out = jnp.einsum('bhqk,bhkd->bhqd', attn, v).transpose(0, 2, 1, 3).reshape(Bq, Sq, d)
    return out @ Wo + bo, attn


def router(xf, router_W, router_b):
    logits = xf @ router_W + router_b
    probs = jax.nn.softmax(logits, axis=-1)
    top_g, top_i = jax.lax.top_k(probs, TOP_K)
    return probs, top_g, top_i


def moe(xf, router_W, router_b, exp_W1, exp_b1, exp_W2, exp_b2):
    T = xf.shape[0]
    probs, top_g, top_i = router(xf, router_W, router_b)
    top_g = top_g / top_g.sum(-1, keepdims=True)
    P = T * TOP_K
    e = top_i.reshape(-1)
    g = top_g.reshape(-1)
    tok = jnp.repeat(jnp.arange(T), TOP_K)
    oh = jax.nn.one_hot(e, N_EXPERTS, dtype=jnp.int32)
    pos = jnp.cumsum(oh, axis=0)[jnp.arange(P), e] - 1
    keep = (pos < CAPACITY).astype(xf.dtype)
    posc = jnp.clip(pos, 0, CAPACITY - 1)
    buf = jnp.zeros((N_EXPERTS, CAPACITY, D_MODEL), xf.dtype).at[e, posc].add(xf[tok] * keep[:, None])
    h = jax.nn.relu(jnp.einsum('ecd,edf->ecf', buf, exp_W1) + exp_b1[:, None, :])
    y = jnp.einsum('ecf,efd->ecd', h, exp_W2) + exp_b2[:, None, :]
    pair_out = y[e, posc] * (g * keep)[:, None]
    return jnp.zeros((T, D_MODEL), xf.dtype).at[tok].add(pair_out)


def _forward(x, encoder_output, sa_Wq, sa_bq, sa_Wk, sa_bk, sa_Wv, sa_bv, sa_Wo, sa_bo, ca_Wq, ca_bq, ca_Wk, ca_bk, ca_Wv, ca_bv, ca_Wo, ca_bo, ln1_g, ln1_b, ln2_g, ln2_b, ln3_g, ln3_b, router_W, router_b, exp_W1, exp_b1, exp_W2, exp_b2):
    a, _ = mha(x, x, x, sa_Wq, sa_bq, sa_Wk, sa_bk, sa_Wv, sa_bv, sa_Wo, sa_bo)
    x = layer_norm(x + a, ln1_g, ln1_b)
    a, _ = mha(x, encoder_output, encoder_output, ca_Wq, ca_bq, ca_Wk, ca_bk, ca_Wv, ca_bv, ca_Wo, ca_bo)
    x = layer_norm(x + a, ln2_g, ln2_b)
    xf = x.reshape(-1, D_MODEL)
    moe_out = moe(xf, router_W, router_b, exp_W1, exp_b1, exp_W2, exp_b2).reshape(x.shape)
    x = layer_norm(x + moe_out, ln3_g, ln3_b)
    probs, top_g, top_i = router(x.reshape(-1, D_MODEL), router_W, router_b)
    f = jax.nn.one_hot(top_i.reshape(-1), N_EXPERTS, dtype=x.dtype).mean(0)
    p = probs.mean(0)
    aux_loss = N_EXPERTS * jnp.sum(f * p)
    return x, aux_loss


def setup_inputs(seed=0):
    key = jax.random.key(seed)
    def nrm(i, shape, scale=0.02):
        return jax.random.normal(jax.random.fold_in(key, i), shape, dtype=jnp.float32) * scale
    inp = {}
    inp['x'] = jax.random.normal(jax.random.fold_in(key, 100), (B, S, D_MODEL), dtype=jnp.float32)
    inp['encoder_output'] = jax.random.normal(jax.random.fold_in(key, 101), (B, S, D_MODEL), dtype=jnp.float32)
    idx = 0
    for pre in ['sa', 'ca']:
        for nm in ['Wq', 'Wk', 'Wv', 'Wo']:
            inp[pre + '_' + nm] = nrm(idx, (D_MODEL, D_MODEL))
            idx += 1
            inp[pre + '_b' + nm[1].lower()] = jnp.zeros((D_MODEL,), jnp.float32)
    for i in [1, 2, 3]:
        inp['ln%d_g' % i] = jnp.ones((D_MODEL,), jnp.float32)
        inp['ln%d_b' % i] = jnp.zeros((D_MODEL,), jnp.float32)
    inp['router_W'] = nrm(20, (D_MODEL, N_EXPERTS))
    inp['router_b'] = jnp.zeros((N_EXPERTS,), jnp.float32)
    inp['exp_W1'] = nrm(21, (N_EXPERTS, D_MODEL, D_FF))
    inp['exp_b1'] = jnp.zeros((N_EXPERTS, D_FF), jnp.float32)
    inp['exp_W2'] = nrm(22, (N_EXPERTS, D_FF, D_MODEL))
    inp['exp_b2'] = jnp.zeros((N_EXPERTS, D_MODEL), jnp.float32)
    return inp


def reference(x, encoder_output, sa_Wq, sa_bq, sa_Wk, sa_bk, sa_Wv, sa_bv, sa_Wo, sa_bo, ca_Wq, ca_bq, ca_Wk, ca_bk, ca_Wv, ca_bv, ca_Wo, ca_bo, ln1_g, ln1_b, ln2_g, ln2_b, ln3_g, ln3_b, router_W, router_b, exp_W1, exp_b1, exp_W2, exp_b2):
    return _forward(x, encoder_output, sa_Wq, sa_bq, sa_Wk, sa_bk, sa_Wv, sa_bv, sa_Wo, sa_bo, ca_Wq, ca_bq, ca_Wk, ca_bk, ca_Wv, ca_bv, ca_Wo, ca_bo, ln1_g, ln1_b, ln2_g, ln2_b, ln3_g, ln3_b, router_W, router_b, exp_W1, exp_b1, exp_W2, exp_b2)

if __name__ == "__main__":
    import jax
    _d = setup_inputs()
    print(jax.jit(kernel)(*tuple(_d.values())))

</pallas_src>

<mosaic_0001>
#map = affine_map<(d0, d1) -> (0, 0)>
#map1 = affine_map<(d0, d1) -> (0)>
module attributes {stable_mosaic.version = 14 : i64} {
  func.func @k(%arg0: i32, %arg1: i32, %arg2: memref<5120x1024xf32, #tpu.memory_space<hbm>>, %arg3: memref<4096xi32, #tpu.memory_space<hbm>>, %arg4: memref<4096x1024xf32, #tpu.memory_space<hbm>>, %arg5: memref<64xi32, #tpu.memory_space<vmem>>, %arg6: memref<64x1024xf32, #tpu.memory_space<vmem>>, %arg7: memref<!tpu.dma_semaphore, #tpu.memory_space<semaphore_mem>>) attributes {dimension_semantics = [#tpu.dimension_semantics<core_parallel>, #tpu.dimension_semantics<subcore_parallel>], iteration_bounds = array<i64: 2, 16>, scalar_prefetch = 0 : i64, scratch_operands = 3 : i64, tpu.core_type = #tpu.core_type<sc_vector_subcore>, window_params = [{transform_indices = #map}, {transform_indices = #map1}, {transform_indices = #map}]} {
    %mul3A = arith.constant 2 : i32
    %mul3A_0 = arith.muli %arg1, %mul3A : i32
    %add3A = arith.addi %mul3A_0, %arg0 : i32
    %mul3A_1 = arith.constant 128 : i32
    %mul3A_2 = arith.muli %add3A, %mul3A_1 : i32
    %add3A_3 = arith.constant 0 : i32
    %add3A_4 = arith.addi %mul3A_2, %add3A_3 : i32
    "tpu.region"() ({
      %run_scoped3A = tpu.sem_alloc : memref<!tpu.dma_semaphore, #tpu.memory_space<semaphore_mem>>
      %dma_start3A_17 = tpu.memref_slice %arg3[%add3A_4] : memref<4096xi32, #tpu.memory_space<hbm>> -> memref<64xi32, #tpu.memory_space<hbm>>
      %dma_start3A_18 = tpu.memref_slice %arg3[%add3A_4] : memref<4096xi32, #tpu.memory_space<hbm>> -> memref<64xi32, #tpu.memory_space<hbm>>
      tpu.enqueue_dma source(%dma_start3A_18 : memref<64xi32, #tpu.memory_space<hbm>>) target(%arg5 : memref<64xi32, #tpu.memory_space<vmem>>) target_semaphore(%run_scoped3A : memref<!tpu.dma_semaphore, #tpu.memory_space<semaphore_mem>>)
      %dma_wait3A_19 = tpu.memref_slice %arg3[%add3A_4] : memref<4096xi32, #tpu.memory_space<hbm>> -> memref<64xi32, #tpu.memory_space<hbm>>
      %dma_wait3A_20 = tpu.memref_slice %arg3[%add3A_4] : memref<4096xi32, #tpu.memory_space<hbm>> -> memref<64xi32, #tpu.memory_space<hbm>>
      tpu.wait_dma2 semaphore(%run_scoped3A : memref<!tpu.dma_semaphore, #tpu.memory_space<semaphore_mem>>) src(%dma_wait3A_20 : memref<64xi32, #tpu.memory_space<hbm>>) dst(%arg5 : memref<64xi32, #tpu.memory_space<vmem>>)
      tpu.yield
    }) : () -> ()
    %dma_start3A = arith.constant 0 : i32
    %dma_start3A_5 = arith.constant 0 : i32
    %dma_start3A_6 = tpu.memref_slice %arg2[%dma_start3A, %dma_start3A_5] : memref<5120x1024xf32, #tpu.memory_space<hbm>> -> memref<5120x1024xf32, #tpu.memory_space<hbm>>
    tpu.enqueue_indirect_dma source(%dma_start3A_6 : memref<5120x1024xf32, #tpu.memory_space<hbm>>) target(%arg6 : memref<64x1024xf32, #tpu.memory_space<vmem>>) offsets(%arg5 : memref<64xi32, #tpu.memory_space<vmem>>) semaphore(%arg7 : memref<!tpu.dma_semaphore, #tpu.memory_space<semaphore_mem>>)
    %dma_wait3A = arith.constant 0 : i32
    %dma_wait3A_7 = arith.constant 0 : i32
    %dma_wait3A_8 = tpu.memref_slice %arg2[%dma_wait3A, %dma_wait3A_7] : memref<5120x1024xf32, #tpu.memory_space<hbm>> -> memref<5120x1024xf32, #tpu.memory_space<hbm>>
    tpu.wait_indirect_dma semaphore(%arg7 : memref<!tpu.dma_semaphore, #tpu.memory_space<semaphore_mem>>) src(%dma_wait3A_8 : memref<5120x1024xf32, #tpu.memory_space<hbm>>) dst(%arg6 : memref<64x1024xf32, #tpu.memory_space<vmem>>)
    "tpu.region"() ({
      %run_scoped3A = tpu.sem_alloc : memref<!tpu.dma_semaphore, #tpu.memory_space<semaphore_mem>>
      %dma_start3A_17 = arith.constant 0 : i32
      %dma_start3A_18 = tpu.memref_slice %arg4[%add3A_4, %dma_start3A_17] : memref<4096x1024xf32, #tpu.memory_space<hbm>> -> memref<64x1024xf32, #tpu.memory_space<hbm>>
      %dma_start3A_19 = arith.constant 0 : i32
      %dma_start3A_20 = tpu.memref_slice %arg4[%add3A_4, %dma_start3A_19] : memref<4096x1024xf32, #tpu.memory_space<hbm>> -> memref<64x1024xf32, #tpu.memory_space<hbm>>
      tpu.enqueue_dma source(%arg6 : memref<64x1024xf32, #tpu.memory_space<vmem>>) target(%dma_start3A_20 : memref<64x1024xf32, #tpu.memory_space<hbm>>) target_semaphore(%run_scoped3A : memref<!tpu.dma_semaphore, #tpu.memory_space<semaphore_mem>>)
      %dma_wait3A_21 = arith.constant 0 : i32
      %dma_wait3A_22 = tpu.memref_slice %arg4[%add3A_4, %dma_wait3A_21] : memref<4096x1024xf32, #tpu.memory_space<hbm>> -> memref<64x1024xf32, #tpu.memory_space<hbm>>
      %dma_wait3A_23 = arith.constant 0 : i32
      %dma_wait3A_24 = tpu.memref_slice %arg4[%add3A_4, %dma_wait3A_23] : memref<4096x1024xf32, #tpu.memory_space<hbm>> -> memref<64x1024xf32, #tpu.memory_space<hbm>>
      tpu.wait_dma2 semaphore(%run_scoped3A : memref<!tpu.dma_semaphore, #tpu.memory_space<semaphore_mem>>) src(%arg6 : memref<64x1024xf32, #tpu.memory_space<vmem>>) dst(%dma_wait3A_24 : memref<64x1024xf32, #tpu.memory_space<hbm>>)
      tpu.yield
    }) : () -> ()
    %add3A_9 = arith.constant 64 : i32
    %add3A_10 = arith.addi %mul3A_2, %add3A_9 : i32
    "tpu.region"() ({
      %run_scoped3A = tpu.sem_alloc : memref<!tpu.dma_semaphore, #tpu.memory_space<semaphore_mem>>
      %dma_start3A_17 = tpu.memref_slice %arg3[%add3A_10] : memref<4096xi32, #tpu.memory_space<hbm>> -> memref<64xi32, #tpu.memory_space<hbm>>
      %dma_start3A_18 = tpu.memref_slice %arg3[%add3A_10] : memref<4096xi32, #tpu.memory_space<hbm>> -> memref<64xi32, #tpu.memory_space<hbm>>
      tpu.enqueue_dma source(%dma_start3A_18 : memref<64xi32, #tpu.memory_space<hbm>>) target(%arg5 : memref<64xi32, #tpu.memory_space<vmem>>) target_semaphore(%run_scoped3A : memref<!tpu.dma_semaphore, #tpu.memory_space<semaphore_mem>>)
      %dma_wait3A_19 = tpu.memref_slice %arg3[%add3A_10] : memref<4096xi32, #tpu.memory_space<hbm>> -> memref<64xi32, #tpu.memory_space<hbm>>
      %dma_wait3A_20 = tpu.memref_slice %arg3[%add3A_10] : memref<4096xi32, #tpu.memory_space<hbm>> -> memref<64xi32, #tpu.memory_space<hbm>>
      tpu.wait_dma2 semaphore(%run_scoped3A : memref<!tpu.dma_semaphore, #tpu.memory_space<semaphore_mem>>) src(%dma_wait3A_20 : memref<64xi32, #tpu.memory_space<hbm>>) dst(%arg5 : memref<64xi32, #tpu.memory_space<vmem>>)
      tpu.yield
    }) : () -> ()
    %dma_start3A_11 = arith.constant 0 : i32
    %dma_start3A_12 = arith.constant 0 : i32
    %dma_start3A_13 = tpu.memref_slice %arg2[%dma_start3A_11, %dma_start3A_12] : memref<5120x1024xf32, #tpu.memory_space<hbm>> -> memref<5120x1024xf32, #tpu.memory_space<hbm>>
    tpu.enqueue_indirect_dma source(%dma_start3A_13 : memref<5120x1024xf32, #tpu.memory_space<hbm>>) target(%arg6 : memref<64x1024xf32, #tpu.memory_space<vmem>>) offsets(%arg5 : memref<64xi32, #tpu.memory_space<vmem>>) semaphore(%arg7 : memref<!tpu.dma_semaphore, #tpu.memory_space<semaphore_mem>>)
    %dma_wait3A_14 = arith.constant 0 : i32
    %dma_wait3A_15 = arith.constant 0 : i32
    %dma_wait3A_16 = tpu.memref_slice %arg2[%dma_wait3A_14, %dma_wait3A_15] : memref<5120x1024xf32, #tpu.memory_space<hbm>> -> memref<5120x1024xf32, #tpu.memory_space<hbm>>
    tpu.wait_indirect_dma semaphore(%arg7 : memref<!tpu.dma_semaphore, #tpu.memory_space<semaphore_mem>>) src(%dma_wait3A_16 : memref<5120x1024xf32, #tpu.memory_space<hbm>>) dst(%arg6 : memref<64x1024xf32, #tpu.memory_space<vmem>>)
    "tpu.region"() ({
      %run_scoped3A = tpu.sem_alloc : memref<!tpu.dma_semaphore, #tpu.memory_space<semaphore_mem>>
      %dma_start3A_17 = arith.constant 0 : i32
      %dma_start3A_18 = tpu.memref_slice %arg4[%add3A_10, %dma_start3A_17] : memref<4096x1024xf32, #tpu.memory_space<hbm>> -> memref<64x1024xf32, #tpu.memory_space<hbm>>
      %dma_start3A_19 = arith.constant 0 : i32
      %dma_start3A_20 = tpu.memref_slice %arg4[%add3A_10, %dma_start3A_19] : memref<4096x1024xf32, #tpu.memory_space<hbm>> -> memref<64x1024xf32, #tpu.memory_space<hbm>>
      tpu.enqueue_dma source(%arg6 : memref<64x1024xf32, #tpu.memory_space<vmem>>) target(%dma_start3A_20 : memref<64x1024xf32, #tpu.memory_space<hbm>>) target_semaphore(%run_scoped3A : memref<!tpu.dma_semaphore, #tpu.memory_space<semaphore_mem>>)
      %dma_wait3A_21 = arith.constant 0 : i32
      %dma_wait3A_22 = tpu.memref_slice %arg4[%add3A_10, %dma_wait3A_21] : memref<4096x1024xf32, #tpu.memory_space<hbm>> -> memref<64x1024xf32, #tpu.memory_space<hbm>>
      %dma_wait3A_23 = arith.constant 0 : i32
      %dma_wait3A_24 = tpu.memref_slice %arg4[%add3A_10, %dma_wait3A_23] : memref<4096x1024xf32, #tpu.memory_space<hbm>> -> memref<64x1024xf32, #tpu.memory_space<hbm>>
      tpu.wait_dma2 semaphore(%run_scoped3A : memref<!tpu.dma_semaphore, #tpu.memory_space<semaphore_mem>>) src(%arg6 : memref<64x1024xf32, #tpu.memory_space<vmem>>) dst(%dma_wait3A_24 : memref<64x1024xf32, #tpu.memory_space<hbm>>)
      tpu.yield
    }) : () -> ()
    return
  }
}

module attributes {stable_mosaic.version = 14 : i64} {
  func.func @_attn_body(%arg0: i32, %arg1: i32, %arg2: memref<512x128xbf16, #tpu.memory_space<vmem>>, %arg3: memref<2048x128xbf16, #tpu.memory_space<vmem>>, %arg4: memref<2048x128xbf16, #tpu.memory_space<vmem>>, %arg5: memref<512x128xbf16, #tpu.memory_space<vmem>>) attributes {dimension_semantics = [#tpu.dimension_semantics<arbitrary>, #tpu.dimension_semantics<arbitrary>], iteration_bounds = array<i64: 8, 4>, scalar_prefetch = 0 : i64, scratch_operands = 0 : i64, tpu.core_type = #tpu.core_type<tc>, window_params = [{transform_indices = @transform_0, window_bounds = array<i64: 512, 128>}, {transform_indices = @transform_1, window_bounds = array<i64: 2048, 128>}, {transform_indices = @transform_2, window_bounds = array<i64: 2048, 128>}, {transform_indices = @transform_3, window_bounds = array<i64: 512, 128>}]} {
    %get3A = arith.constant 0 : index
    %get3A_0 = arith.constant 0 : index
    %get3A_1 = vector.load %arg2[%get3A, %get3A_0] : memref<512x128xbf16, #tpu.memory_space<vmem>>, vector<512x128xbf16>
    %get3A_2 = arith.constant 0 : index
    %get3A_3 = arith.constant 0 : index
    %get3A_4 = vector.load %arg3[%get3A_2, %get3A_3] : memref<2048x128xbf16, #tpu.memory_space<vmem>>, vector<2048x128xbf16>
    %slice3A = vector.extract_strided_slice %get3A_1 {offsets = [0, 0], sizes = [512, 64], strides = [1, 1]} : vector<512x128xbf16> to vector<512x64xbf16>
    %slice3A_5 = vector.extract_strided_slice %get3A_4 {offsets = [0, 0], sizes = [2048, 64], strides = [1, 1]} : vector<2048x128xbf16> to vector<2048x64xbf16>
    %dot_general3A = arith.constant dense<0.000000e+00> : vector<512x2048xf32>
    %dot_general3A_6 = tpu.matmul %slice3A, %slice3A_5, %dot_general3A {dimension_numbers = #tpu.dot_dimension_numbers<[1], [1], [0], [0], [0, 0, 1, 0], [], []>, transpose_lhs_hint = false} : vector<512x64xbf16>, vector<2048x64xbf16>, vector<512x2048xf32> -> vector<512x2048xf32>
    %mul3A = arith.constant 1.250000e-01 : f32
    %mul3A_7 = vector.broadcast %mul3A : f32 to vector<512x2048xf32>
    %mul3A_8 = arith.mulf %dot_general3A_6, %mul3A_7 : vector<512x2048xf32>
    %reduce_max3A = arith.constant dense<0xFF800000> : vector<512xf32>
    %reduce_max3A_9 = vector.multi_reduction <maximumf>, %mul3A_8, %reduce_max3A [1] : vector<512x2048xf32> to vector<512xf32>
    %broadcast_in_dim3A = vector.shape_cast %reduce_max3A_9 : vector<512xf32> to vector<512x1xf32>
    %sub3A = vector.broadcast %broadcast_in_dim3A : vector<512x1xf32> to vector<512x2048xf32>
    %sub3A_10 = arith.subf %mul3A_8, %sub3A : vector<512x2048xf32>
    %exp3A = math.exp %sub3A_10 : vector<512x2048xf32>
    %reduce_sum3A = arith.constant dense<0.000000e+00> : vector<512xf32>
    %reduce_sum3A_11 = vector.multi_reduction <add>, %exp3A, %reduce_sum3A [1] : vector<512x2048xf32> to vector<512xf32>
    %broadcast_in_dim3A_12 = vector.shape_cast %reduce_sum3A_11 : vector<512xf32> to vector<512x1xf32>
    %div3A = arith.constant 1.000000e+00 : f32
    %div3A_13 = vector.broadcast %div3A : f32 to vector<512x1xf32>
    %div3A_14 = arith.divf %div3A_13, %broadcast_in_dim3A_12 : vector<512x1xf32>
    %mul3A_15 = vector.broadcast %div3A_14 : vector<512x1xf32> to vector<512x2048xf32>
    %mul3A_16 = arith.mulf %exp3A, %mul3A_15 : vector<512x2048xf32>
    %get3A_17 = arith.constant 0 : index
    %get3A_18 = arith.constant 0 : index
    %get3A_19 = vector.load %arg4[%get3A_17, %get3A_18] : memref<2048x128xbf16, #tpu.memory_space<vmem>>, vector<2048x64xbf16>
    %convert_element_type3A = arith.truncf %mul3A_16 : vector<512x2048xf32> to vector<512x2048xbf16>
    %dot_general3A_20 = arith.constant dense<0.000000e+00> : vector<512x64xf32>
    %dot_general3A_21 = tpu.matmul %convert_element_type3A, %get3A_19, %dot_general3A_20 {dimension_numbers = #tpu.dot_dimension_numbers<[1], [0], [0], [1], [0, 0, 1, 1], [], []>, transpose_lhs_hint = false} : vector<512x2048xbf16>, vector<2048x64xbf16>, vector<512x64xf32> -> vector<512x64xf32>
    %slice3A_22 = vector.extract_strided_slice %get3A_1 {offsets = [0, 64], sizes = [512, 64], strides = [1, 1]} : vector<512x128xbf16> to vector<512x64xbf16>
    %slice3A_23 = vector.extract_strided_slice %get3A_4 {offsets = [0, 64], sizes = [2048, 64], strides = [1, 1]} : vector<2048x128xbf16> to vector<2048x64xbf16>
    %dot_general3A_24 = arith.constant dense<0.000000e+00> : vector<512x2048xf32>
    %dot_general3A_25 = tpu.matmul %slice3A_22, %slice3A_23, %dot_general3A_24 {dimension_numbers = #tpu.dot_dimension_numbers<[1], [1], [0], [0], [0, 0, 1, 0], [], []>, transpose_lhs_hint = false} : vector<512x64xbf16>, vector<2048x64xbf16>, vector<512x2048xf32> -> vector<512x2048xf32>
    %mul3A_26 = arith.constant 1.250000e-01 : f32
    %mul3A_27 = vector.broadcast %mul3A_26 : f32 to vector<512x2048xf32>
    %mul3A_28 = arith.mulf %dot_general3A_25, %mul3A_27 : vector<512x2048xf32>
    %reduce_max3A_29 = arith.constant dense<0xFF800000> : vector<512xf32>
    %reduce_max3A_30 = vector.multi_reduction <maximumf>, %mul3A_28, %reduce_max3A_29 [1] : vector<512x2048xf32> to vector<512xf32>
    %broadcast_in_dim3A_31 = vector.shape_cast %reduce_max3A_30 : vector<512xf32> to vector<512x1xf32>
    %sub3A_32 = vector.broadcast %broadcast_in_dim3A_31 : vector<512x1xf32> to vector<512x2048xf32>
    %sub3A_33 = arith.subf %mul3A_28, %sub3A_32 : vector<512x2048xf32>
    %exp3A_34 = math.exp %sub3A_33 : vector<512x2048xf32>
    %reduce_sum3A_35 = arith.constant dense<0.000000e+00> : vector<512xf32>
    %reduce_sum3A_36 = vector.multi_reduction <add>, %exp3A_34, %reduce_sum3A_35 [1] : vector<512x2048xf32> to vector<512xf32>
    %broadcast_in_dim3A_37 = vector.shape_cast %reduce_sum3A_36 : vector<512xf32> to vector<512x1xf32>
    %div3A_38 = arith.constant 1.000000e+00 : f32
    %div3A_39 = vector.broadcast %div3A_38 : f32 to vector<512x1xf32>
    %div3A_40 = arith.divf %div3A_39, %broadcast_in_dim3A_37 : vector<512x1xf32>
    %mul3A_41 = vector.broadcast %div3A_40 : vector<512x1xf32> to vector<512x2048xf32>
    %mul3A_42 = arith.mulf %exp3A_34, %mul3A_41 : vector<512x2048xf32>
    %get3A_43 = arith.constant 0 : index
    %get3A_44 = arith.constant 64 : index
    %get3A_45 = vector.load %arg4[%get3A_43, %get3A_44] : memref<2048x128xbf16, #tpu.memory_space<vmem>>, vector<2048x64xbf16>
    %convert_element_type3A_46 = arith.truncf %mul3A_42 : vector<512x2048xf32> to vector<512x2048xbf16>
    %dot_general3A_47 = arith.constant dense<0.000000e+00> : vector<512x64xf32>
    %dot_general3A_48 = tpu.matmul %convert_element_type3A_46, %get3A_45, %dot_general3A_47 {dimension_numbers = #tpu.dot_dimension_numbers<[1], [0], [0], [1], [0, 0, 1, 1], [], []>, transpose_lhs_hint = false} : vector<512x2048xbf16>, vector<2048x64xbf16>, vector<512x64xf32> -> vector<512x64xf32>
    %concatenate3A = tpu.concatenate %dot_general3A_21, %dot_general3A_48 in 1 : vector<512x64xf32>, vector<512x64xf32> -> vector<512x128xf32>
    %convert_element_type3A_49 = arith.truncf %concatenate3A : vector<512x128xf32> to vector<512x128xbf16>
    %swap3A = arith.constant 0 : index
    %swap3A_50 = arith.constant 0 : index
    %swap3A_51 = vector.load %arg5[%swap3A, %swap3A_50] : memref<512x128xbf16, #tpu.memory_space<vmem>>, vector<512x128xbf16>
    tpu.vector_store %arg5[%swap3A, %swap3A_50], %convert_element_type3A_49 {strides = array<i32>} : memref<512x128xbf16, #tpu.memory_space<vmem>>, vector<512x128xbf16>,
    return
  }
  func.func @transform_0(%arg0: i32, %arg1: i32) -> (i32, i32) {
    %add3A = arith.constant 0 : i32
    %add3A_0 = arith.addi %add3A, %arg0 : i32
    %c0_i32 = arith.constant 0 : i32
    return %arg1, %add3A_0 : i32, i32
  }
  func.func @transform_1(%arg0: i32, %arg1: i32) -> (i32, i32) {
    %add3A = arith.constant 8 : i32
    %add3A_0 = arith.addi %add3A, %arg0 : i32
    %c0_i32 = arith.constant 0 : i32
    %c0_i32_1 = arith.constant 0 : i32
    return %c0_i32, %add3A_0 : i32, i32
  }
  func.func @transform_2(%arg0: i32, %arg1: i32) -> (i32, i32) {
    %add3A = arith.constant 16 : i32
    %add3A_0 = arith.addi %add3A, %arg0 : i32
    %c0_i32 = arith.constant 0 : i32
    %c0_i32_1 = arith.constant 0 : i32
    return %c0_i32, %add3A_0 : i32, i32
  }
  func.func @transform_3(%arg0: i32, %arg1: i32) -> (i32, i32) {
    %c0_i32 = arith.constant 0 : i32
    return %arg1, %arg0 : i32, i32
  }
}

module attributes {stable_mosaic.version = 14 : i64} {
  func.func @_mm_body_multi(%arg0: i32, %arg1: memref<256x1024xf32, #tpu.memory_space<vmem>>, %arg2: memref<1024x1024xf32, #tpu.memory_space<vmem>>, %arg3: memref<1x1024xf32, #tpu.memory_space<vmem>>, %arg4: memref<1024x1024xf32, #tpu.memory_space<vmem>>, %arg5: memref<1x1024xf32, #tpu.memory_space<vmem>>, %arg6: memref<1024x1024xf32, #tpu.memory_space<vmem>>, %arg7: memref<1x1024xf32, #tpu.memory_space<vmem>>, %arg8: memref<256x3072xbf16, #tpu.memory_space<vmem>>) attributes {dimension_semantics = [#tpu.dimension_semantics<arbitrary>], iteration_bounds = array<i64: 8>, scalar_prefetch = 0 : i64, scratch_operands = 0 : i64, tpu.core_type = #tpu.core_type<tc>, window_params = [{transform_indices = @transform_0, window_bounds = array<i64: 256, 1024>}, {pipeline_mode = #tpu.pipeline_mode<synchronous>, transform_indices = @transform_1, window_bounds = array<i64: 1024, 1024>}, {pipeline_mode = #tpu.pipeline_mode<synchronous>, transform_indices = @transform_2, window_bounds = array<i64: 1, 1024>}, {pipeline_mode = #tpu.pipeline_mode<synchronous>, transform_indices = @transform_3, window_bounds = array<i64: 1024, 1024>}, {pipeline_mode = #tpu.pipeline_mode<synchronous>, transform_indices = @transform_4, window_bounds = array<i64: 1, 1024>}, {pipeline_mode = #tpu.pipeline_mode<synchronous>, transform_indices = @transform_5, window_bounds = array<i64: 1024, 1024>}, {pipeline_mode = #tpu.pipeline_mode<synchronous>, transform_indices = @transform_6, window_bounds = array<i64: 1, 1024>}, {transform_indices = @transform_7, window_bounds = array<i64: 256, 3072>}]} {
    %get3A = arith.constant 0 : index
    %get3A_0 = arith.constant 0 : index
    %get3A_1 = vector.load %arg1[%get3A, %get3A_0] : memref<256x1024xf32, #tpu.memory_space<vmem>>, vector<256x1024xf32>
    %convert_element_type3A = arith.truncf %get3A_1 : vector<256x1024xf32> to vector<256x1024xbf16>
    %get3A_2 = arith.constant 0 : index
    %get3A_3 = arith.constant 0 : index
    %get3A_4 = vector.load %arg2[%get3A_2, %get3A_3] : memref<1024x1024xf32, #tpu.memory_space<vmem>>, vector<1024x1024xf32>
    %convert_element_type3A_5 = arith.truncf %get3A_4 : vector<1024x1024xf32> to vector<1024x1024xbf16>
    %get3A_6 = arith.constant 0 : index
    %get3A_7 = arith.constant 0 : index
    %get3A_8 = vector.load %arg3[%get3A_6, %get3A_7] : memref<1x1024xf32, #tpu.memory_space<vmem>>, vector<1x1024xf32>
    %dot_general3A = arith.constant dense<0.000000e+00> : vector<256x1024xf32>
    %dot_general3A_9 = tpu.matmul %convert_element_type3A, %convert_element_type3A_5, %dot_general3A {dimension_numbers = #tpu.dot_dimension_numbers<[1], [0], [0], [1], [0, 0, 1, 1], [], []>, transpose_lhs_hint = false} : vector<256x1024xbf16>, vector<1024x1024xbf16>, vector<256x1024xf32> -> vector<256x1024xf32>
    %add3A = vector.broadcast %get3A_8 : vector<1x1024xf32> to vector<256x1024xf32>
    %add3A_10 = arith.addf %dot_general3A_9, %add3A : vector<256x1024xf32>
    %convert_element_type3A_11 = arith.truncf %add3A_10 : vector<256x1024xf32> to vector<256x1024xbf16>
    %swap3A = arith.constant 0 : index
    %swap3A_12 = arith.constant 0 : index
    %swap3A_13 = vector.load %arg8[%swap3A, %swap3A_12] : memref<256x3072xbf16, #tpu.memory_space<vmem>>, vector<256x1024xbf16>
    tpu.vector_store %arg8[%swap3A, %swap3A_12], %convert_element_type3A_11 {strides = array<i32>} : memref<256x3072xbf16, #tpu.memory_space<vmem>>, vector<256x1024xbf16>,
    %get3A_14 = arith.constant 0 : index
    %get3A_15 = arith.constant 0 : index
    %get3A_16 = vector.load %arg4[%get3A_14, %get3A_15] : memref<1024x1024xf32, #tpu.memory_space<vmem>>, vector<1024x1024xf32>
    %convert_element_type3A_17 = arith.truncf %get3A_16 : vector<1024x1024xf32> to vector<1024x1024xbf16>
    %get3A_18 = arith.constant 0 : index
    %get3A_19 = arith.constant 0 : index
    %get3A_20 = vector.load %arg5[%get3A_18, %get3A_19] : memref<1x1024xf32, #tpu.memory_space<vmem>>, vector<1x1024xf32>
    %dot_general3A_21 = arith.constant dense<0.000000e+00> : vector<256x1024xf32>
    %dot_general3A_22 = tpu.matmul %convert_element_type3A, %convert_element_type3A_17, %dot_general3A_21 {dimension_numbers = #tpu.dot_dimension_numbers<[1], [0], [0], [1], [0, 0, 1, 1], [], []>, transpose_lhs_hint = false} : vector<256x1024xbf16>, vector<1024x1024xbf16>, vector<256x1024xf32> -> vector<256x1024xf32>
    %add3A_23 = vector.broadcast %get3A_20 : vector<1x1024xf32> to vector<256x1024xf32>
    %add3A_24 = arith.addf %dot_general3A_22, %add3A_23 : vector<256x1024xf32>
    %convert_element_type3A_25 = arith.truncf %add3A_24 : vector<256x1024xf32> to vector<256x1024xbf16>
    %swap3A_26 = arith.constant 0 : index
    %swap3A_27 = arith.constant 1024 : index
    %swap3A_28 = vector.load %arg8[%swap3A_26, %swap3A_27] : memref<256x3072xbf16, #tpu.memory_space<vmem>>, vector<256x1024xbf16>
    tpu.vector_store %arg8[%swap3A_26, %swap3A_27], %convert_element_type3A_25 {strides = array<i32>} : memref<256x3072xbf16, #tpu.memory_space<vmem>>, vector<256x1024xbf16>,
    %get3A_29 = arith.constant 0 : index
    %get3A_30 = arith.constant 0 : index
    %get3A_31 = vector.load %arg6[%get3A_29, %get3A_30] : memref<1024x1024xf32, #tpu.memory_space<vmem>>, vector<1024x1024xf32>
    %convert_element_type3A_32 = arith.truncf %get3A_31 : vector<1024x1024xf32> to vector<1024x1024xbf16>
    %get3A_33 = arith.constant 0 : index
    %get3A_34 = arith.constant 0 : index
    %get3A_35 = vector.load %arg7[%get3A_33, %get3A_34] : memref<1x1024xf32, #tpu.memory_space<vmem>>, vector<1x1024xf32>
    %dot_general3A_36 = arith.constant dense<0.000000e+00> : vector<256x1024xf32>
    %dot_general3A_37 = tpu.matmul %convert_element_type3A, %convert_element_type3A_32, %dot_general3A_36 {dimension_numbers = #tpu.dot_dimension_numbers<[1], [0], [0], [1], [0, 0, 1, 1], [], []>, transpose_lhs_hint = false} : vector<256x1024xbf16>, vector<1024x1024xbf16>, vector<256x1024xf32> -> vector<256x1024xf32>
    %add3A_38 = vector.broadcast %get3A_35 : vector<1x1024xf32> to vector<256x1024xf32>
    %add3A_39 = arith.addf %dot_general3A_37, %add3A_38 : vector<256x1024xf32>
    %convert_element_type3A_40 = arith.truncf %add3A_39 : vector<256x1024xf32> to vector<256x1024xbf16>
    %swap3A_41 = arith.constant 0 : index
    %swap3A_42 = arith.constant 2048 : index
    %swap3A_43 = vector.load %arg8[%swap3A_41, %swap3A_42] : memref<256x3072xbf16, #tpu.memory_space<vmem>>, vector<256x1024xbf16>
    tpu.vector_store %arg8[%swap3A_41, %swap3A_42], %convert_element_type3A_40 {strides = array<i32>} : memref<256x3072xbf16, #tpu.memory_space<vmem>>, vector<256x1024xbf16>,
    return
  }
  func.func @transform_0(%arg0: i32) -> (i32, i32) {
    %c0_i32 = arith.constant 0 : i32
    %c0_i32_0 = arith.constant 0 : i32
    return %arg0, %c0_i32 : i32, i32
  }
  func.func @transform_1(%arg0: i32) -> (i32, i32) {
    %c0_i32 = arith.constant 0 : i32
    %c0_i32_0 = arith.constant 0 : i32
    %c0_i32_1 = arith.constant 0 : i32
    return %c0_i32, %c0_i32_0 : i32, i32
  }
  func.func @transform_2(%arg0: i32) -> (i32, i32) {
    %c0_i32 = arith.constant 0 : i32
    %c0_i32_0 = arith.constant 0 : i32
    %c0_i32_1 = arith.constant 0 : i32
    return %c0_i32, %c0_i32_0 : i32, i32
  }
  func.func @transform_3(%arg0: i32) -> (i32, i32) {
    %c0_i32 = arith.constant 0 : i32
    %c0_i32_0 = arith.constant 0 : i32
    %c0_i32_1 = arith.constant 0 : i32
    return %c0_i32, %c0_i32_0 : i32, i32
  }
  func.func @transform_4(%arg0: i32) -> (i32, i32) {
    %c0_i32 = arith.constant 0 : i32
    %c0_i32_0 = arith.constant 0 : i32
    %c0_i32_1 = arith.constant 0 : i32
    return %c0_i32, %c0_i32_0 : i32, i32
  }
  func.func @transform_5(%arg0: i32) -> (i32, i32) {
    %c0_i32 = arith.constant 0 : i32
    %c0_i32_0 = arith.constant 0 : i32
    %c0_i32_1 = arith.constant 0 : i32
    return %c0_i32, %c0_i32_0 : i32, i32
  }
  func.func @transform_6(%arg0: i32) -> (i32, i32) {
    %c0_i32 = arith.constant 0 : i32
    %c0_i32_0 = arith.constant 0 : i32
    %c0_i32_1 = arith.constant 0 : i32
    return %c0_i32, %c0_i32_0 : i32, i32
  }
  func.func @transform_7(%arg0: i32) -> (i32, i32) {
    %c0_i32 = arith.constant 0 : i32
    %c0_i32_0 = arith.constant 0 : i32
    return %arg0, %c0_i32 : i32, i32
  }
}

module attributes {stable_mosaic.version = 14 : i64} {
  func.func @_mm_body_multi(%arg0: i32, %arg1: memref<256x1024xbf16, #tpu.memory_space<vmem>>, %arg2: memref<1024x1024xf32, #tpu.memory_space<vmem>>, %arg3: memref<1x1024xf32, #tpu.memory_space<vmem>>, %arg4: memref<256x1024xbf16, #tpu.memory_space<vmem>>) attributes {dimension_semantics = [#tpu.dimension_semantics<arbitrary>], iteration_bounds = array<i64: 8>, scalar_prefetch = 0 : i64, scratch_operands = 0 : i64, tpu.core_type = #tpu.core_type<tc>, window_params = [{transform_indices = @transform_0, window_bounds = array<i64: 256, 1024>}, {pipeline_mode = #tpu.pipeline_mode<synchronous>, transform_indices = @transform_1, window_bounds = array<i64: 1024, 1024>}, {pipeline_mode = #tpu.pipeline_mode<synchronous>, transform_indices = @transform_2, window_bounds = array<i64: 1, 1024>}, {transform_indices = @transform_3, window_bounds = array<i64: 256, 1024>}]} {
    %get3A = arith.constant 0 : index
    %get3A_0 = arith.constant 0 : index
    %get3A_1 = vector.load %arg1[%get3A, %get3A_0] : memref<256x1024xbf16, #tpu.memory_space<vmem>>, vector<256x1024xbf16>
    %get3A_2 = arith.constant 0 : index
    %get3A_3 = arith.constant 0 : index
    %get3A_4 = vector.load %arg2[%get3A_2, %get3A_3] : memref<1024x1024xf32, #tpu.memory_space<vmem>>, vector<1024x1024xf32>
    %convert_element_type3A = arith.truncf %get3A_4 : vector<1024x1024xf32> to vector<1024x1024xbf16>
    %get3A_5 = arith.constant 0 : index
    %get3A_6 = arith.constant 0 : index
    %get3A_7 = vector.load %arg3[%get3A_5, %get3A_6] : memref<1x1024xf32, #tpu.memory_space<vmem>>, vector<1x1024xf32>
    %dot_general3A = arith.constant dense<0.000000e+00> : vector<256x1024xf32>
    %dot_general3A_8 = tpu.matmul %get3A_1, %convert_element_type3A, %dot_general3A {dimension_numbers = #tpu.dot_dimension_numbers<[1], [0], [0], [1], [0, 0, 1, 1], [], []>, transpose_lhs_hint = false} : vector<256x1024xbf16>, vector<1024x1024xbf16>, vector<256x1024xf32> -> vector<256x1024xf32>
    %add3A = vector.broadcast %get3A_7 : vector<1x1024xf32> to vector<256x1024xf32>
    %add3A_9 = arith.addf %dot_general3A_8, %add3A : vector<256x1024xf32>
    %convert_element_type3A_10 = arith.truncf %add3A_9 : vector<256x1024xf32> to vector<256x1024xbf16>
    %swap3A = arith.constant 0 : index
    %swap3A_11 = arith.constant 0 : index
    %swap3A_12 = vector.load %arg4[%swap3A, %swap3A_11] : memref<256x1024xbf16, #tpu.memory_space<vmem>>, vector<256x1024xbf16>
    tpu.vector_store %arg4[%swap3A, %swap3A_11], %convert_element_type3A_10 {strides = array<i32>} : memref<256x1024xbf16, #tpu.memory_space<vmem>>, vector<256x1024xbf16>,
    return
  }
  func.func @transform_0(%arg0: i32) -> (i32, i32) {
    %c0_i32 = arith.constant 0 : i32
    %c0_i32_0 = arith.constant 0 : i32
    return %arg0, %c0_i32 : i32, i32
  }
  func.func @transform_1(%arg0: i32) -> (i32, i32) {
    %c0_i32 = arith.constant 0 : i32
    %c0_i32_0 = arith.constant 0 : i32
    %c0_i32_1 = arith.constant 0 : i32
    return %c0_i32, %c0_i32_0 : i32, i32
  }
  func.func @transform_2(%arg0: i32) -> (i32, i32) {
    %c0_i32 = arith.constant 0 : i32
    %c0_i32_0 = arith.constant 0 : i32
    %c0_i32_1 = arith.constant 0 : i32
    return %c0_i32, %c0_i32_0 : i32, i32
  }
  func.func @transform_3(%arg0: i32) -> (i32, i32) {
    %c0_i32 = arith.constant 0 : i32
    %c0_i32_0 = arith.constant 0 : i32
    return %arg0, %c0_i32 : i32, i32
  }
}

module attributes {stable_mosaic.version = 14 : i64} {
  func.func @_proj_ln_body(%arg0: i32, %arg1: memref<256x1024xbf16, #tpu.memory_space<vmem>>, %arg2: memref<1024x1024xf32, #tpu.memory_space<vmem>>, %arg3: memref<1x1024xf32, #tpu.memory_space<vmem>>, %arg4: memref<256x1024xf32, #tpu.memory_space<vmem>>, %arg5: memref<1x1024xf32, #tpu.memory_space<vmem>>, %arg6: memref<1x1024xf32, #tpu.memory_space<vmem>>, %arg7: memref<256x1024xf32, #tpu.memory_space<vmem>>, %arg8: memref<256x1024xbf16, #tpu.memory_space<vmem>>) attributes {dimension_semantics = [#tpu.dimension_semantics<arbitrary>], iteration_bounds = array<i64: 8>, scalar_prefetch = 0 : i64, scratch_operands = 0 : i64, tpu.core_type = #tpu.core_type<tc>, window_params = [{transform_indices = @transform_0, window_bounds = array<i64: 256, 1024>}, {pipeline_mode = #tpu.pipeline_mode<synchronous>, transform_indices = @transform_1, window_bounds = array<i64: 1024, 1024>}, {pipeline_mode = #tpu.pipeline_mode<synchronous>, transform_indices = @transform_2, window_bounds = array<i64: 1, 1024>}, {transform_indices = @transform_3, window_bounds = array<i64: 256, 1024>}, {pipeline_mode = #tpu.pipeline_mode<synchronous>, transform_indices = @transform_4, window_bounds = array<i64: 1, 1024>}, {pipeline_mode = #tpu.pipeline_mode<synchronous>, transform_indices = @transform_5, window_bounds = array<i64: 1, 1024>}, {transform_indices = @transform_6, window_bounds = array<i64: 256, 1024>}, {transform_indices = @transform_7, window_bounds = array<i64: 256, 1024>}]} {
    %get3A = arith.constant 0 : index
    %get3A_0 = arith.constant 0 : index
    %get3A_1 = vector.load %arg1[%get3A, %get3A_0] : memref<256x1024xbf16, #tpu.memory_space<vmem>>, vector<256x1024xbf16>
    %get3A_2 = arith.constant 0 : index
    %get3A_3 = arith.constant 0 : index
    %get3A_4 = vector.load %arg2[%get3A_2, %get3A_3] : memref<1024x1024xf32, #tpu.memory_space<vmem>>, vector<1024x1024xf32>
    %convert_element_type3A = arith.truncf %get3A_4 : vector<1024x1024xf32> to vector<1024x1024xbf16>
    %dot_general3A = arith.constant dense<0.000000e+00> : vector<256x1024xf32>
    %dot_general3A_5 = tpu.matmul %get3A_1, %convert_element_type3A, %dot_general3A {dimension_numbers = #tpu.dot_dimension_numbers<[1], [0], [0], [1], [0, 0, 1, 1], [], []>, transpose_lhs_hint = false} : vector<256x1024xbf16>, vector<1024x1024xbf16>, vector<256x1024xf32> -> vector<256x1024xf32>
    %get3A_6 = arith.constant 0 : index
    %get3A_7 = arith.constant 0 : index
    %get3A_8 = vector.load %arg3[%get3A_6, %get3A_7] : memref<1x1024xf32, #tpu.memory_space<vmem>>, vector<1x1024xf32>
    %add3A = vector.broadcast %get3A_8 : vector<1x1024xf32> to vector<256x1024xf32>
    %add3A_9 = arith.addf %dot_general3A_5, %add3A : vector<256x1024xf32>
    %get3A_10 = arith.constant 0 : index
    %get3A_11 = arith.constant 0 : index
    %get3A_12 = vector.load %arg4[%get3A_10, %get3A_11] : memref<256x1024xf32, #tpu.memory_space<vmem>>, vector<256x1024xf32>
    %add3A_13 = arith.addf %add3A_9, %get3A_12 : vector<256x1024xf32>
    %reduce_sum3A = arith.constant dense<0.000000e+00> : vector<256xf32>
    %reduce_sum3A_14 = vector.multi_reduction <add>, %add3A_13, %reduce_sum3A [1] : vector<256x1024xf32> to vector<256xf32>
    %broadcast_in_dim3A = vector.shape_cast %reduce_sum3A_14 : vector<256xf32> to vector<256x1xf32>
    %div3A = arith.constant 1.024000e+03 : f32
    %div3A_15 = vector.broadcast %div3A : f32 to vector<256x1xf32>
    %div3A_16 = arith.divf %broadcast_in_dim3A, %div3A_15 : vector<256x1xf32>
    %sub3A = vector.broadcast %div3A_16 : vector<256x1xf32> to vector<256x1024xf32>
    %sub3A_17 = arith.subf %add3A_13, %sub3A : vector<256x1024xf32>
    %integer_pow3A = arith.mulf %sub3A_17, %sub3A_17 : vector<256x1024xf32>
    %reduce_sum3A_18 = arith.constant dense<0.000000e+00> : vector<256xf32>
    %reduce_sum3A_19 = vector.multi_reduction <add>, %integer_pow3A, %reduce_sum3A_18 [1] : vector<256x1024xf32> to vector<256xf32>
    %broadcast_in_dim3A_20 = vector.shape_cast %reduce_sum3A_19 : vector<256xf32> to vector<256x1xf32>
    %div3A_21 = arith.constant 1.024000e+03 : f32
    %div3A_22 = vector.broadcast %div3A_21 : f32 to vector<256x1xf32>
    %div3A_23 = arith.divf %broadcast_in_dim3A_20, %div3A_22 : vector<256x1xf32>
    %sub3A_24 = vector.broadcast %div3A_16 : vector<256x1xf32> to vector<256x1024xf32>
    %sub3A_25 = arith.subf %add3A_13, %sub3A_24 : vector<256x1024xf32>
    %add3A_26 = arith.constant 9.99999974E-6 : f32
    %add3A_27 = vector.broadcast %add3A_26 : f32 to vector<256x1xf32>
    %add3A_28 = arith.addf %div3A_23, %add3A_27 : vector<256x1xf32>
    %sqrt3A = math.sqrt %add3A_28 : vector<256x1xf32>
    %div3A_29 = vector.broadcast %sqrt3A : vector<256x1xf32> to vector<256x1024xf32>
    %div3A_30 = arith.divf %sub3A_25, %div3A_29 : vector<256x1024xf32>
    %get3A_31 = arith.constant 0 : index
    %get3A_32 = arith.constant 0 : index
    %get3A_33 = vector.load %arg5[%get3A_31, %get3A_32] : memref<1x1024xf32, #tpu.memory_space<vmem>>, vector<1x1024xf32>
    %mul3A = vector.broadcast %get3A_33 : vector<1x1024xf32> to vector<256x1024xf32>
    %mul3A_34 = arith.mulf %div3A_30, %mul3A : vector<256x1024xf32>
    %get3A_35 = arith.constant 0 : index
    %get3A_36 = arith.constant 0 : index
    %get3A_37 = vector.load %arg6[%get3A_35, %get3A_36] : memref<1x1024xf32, #tpu.memory_space<vmem>>, vector<1x1024xf32>
    %add3A_38 = vector.broadcast %get3A_37 : vector<1x1024xf32> to vector<256x1024xf32>
    %add3A_39 = arith.addf %mul3A_34, %add3A_38 : vector<256x1024xf32>
    %swap3A = arith.constant 0 : index
    %swap3A_40 = arith.constant 0 : index
    %swap3A_41 = vector.load %arg7[%swap3A, %swap3A_40] : memref<256x1024xf32, #tpu.memory_space<vmem>>, vector<256x1024xf32>
    tpu.vector_store %arg7[%swap3A, %swap3A_40], %add3A_39 {strides = array<i32>} : memref<256x1024xf32, #tpu.memory_space<vmem>>, vector<256x1024xf32>,
    %convert_element_type3A_42 = arith.truncf %add3A_39 : vector<256x1024xf32> to vector<256x1024xbf16>
    %swap3A_43 = arith.constant 0 : index
    %swap3A_44 = arith.constant 0 : index
    %swap3A_45 = vector.load %arg8[%swap3A_43, %swap3A_44] : memref<256x1024xbf16, #tpu.memory_space<vmem>>, vector<256x1024xbf16>
    tpu.vector_store %arg8[%swap3A_43, %swap3A_44], %convert_element_type3A_42 {strides = array<i32>} : memref<256x1024xbf16, #tpu.memory_space<vmem>>, vector<256x1024xbf16>,
    return
  }
  func.func @transform_0(%arg0: i32) -> (i32, i32) {
    %c0_i32 = arith.constant 0 : i32
    %c0_i32_0 = arith.constant 0 : i32
    return %arg0, %c0_i32 : i32, i32
  }
  func.func @transform_1(%arg0: i32) -> (i32, i32) {
    %c0_i32 = arith.constant 0 : i32
    %c0_i32_0 = arith.constant 0 : i32
    %c0_i32_1 = arith.constant 0 : i32
    return %c0_i32, %c0_i32_0 : i32, i32
  }
  func.func @transform_2(%arg0: i32) -> (i32, i32) {
    %c0_i32 = arith.constant 0 : i32
    %c0_i32_0 = arith.constant 0 : i32
    %c0_i32_1 = arith.constant 0 : i32
    return %c0_i32, %c0_i32_0 : i32, i32
  }
  func.func @transform_3(%arg0: i32) -> (i32, i32) {
    %c0_i32 = arith.constant 0 : i32
    %c0_i32_0 = arith.constant 0 : i32
    return %arg0, %c0_i32 : i32, i32
  }
  func.func @transform_4(%arg0: i32) -> (i32, i32) {
    %c0_i32 = arith.constant 0 : i32
    %c0_i32_0 = arith.constant 0 : i32
    %c0_i32_1 = arith.constant 0 : i32
    return %c0_i32, %c0_i32_0 : i32, i32
  }
  func.func @transform_5(%arg0: i32) -> (i32, i32) {
    %c0_i32 = arith.constant 0 : i32
    %c0_i32_0 = arith.constant 0 : i32
    %c0_i32_1 = arith.constant 0 : i32
    return %c0_i32, %c0_i32_0 : i32, i32
  }
  func.func @transform_6(%arg0: i32) -> (i32, i32) {
    %c0_i32 = arith.constant 0 : i32
    %c0_i32_0 = arith.constant 0 : i32
    return %arg0, %c0_i32 : i32, i32
  }
  func.func @transform_7(%arg0: i32) -> (i32, i32) {
    %c0_i32 = arith.constant 0 : i32
    %c0_i32_0 = arith.constant 0 : i32
    return %arg0, %c0_i32 : i32, i32
  }
}

module attributes {stable_mosaic.version = 14 : i64} {
  func.func @_mm_body_multi(%arg0: i32, %arg1: memref<256x1024xf32, #tpu.memory_space<vmem>>, %arg2: memref<1024x1024xf32, #tpu.memory_space<vmem>>, %arg3: memref<1x1024xf32, #tpu.memory_space<vmem>>, %arg4: memref<1024x1024xf32, #tpu.memory_space<vmem>>, %arg5: memref<1x1024xf32, #tpu.memory_space<vmem>>, %arg6: memref<256x2048xbf16, #tpu.memory_space<vmem>>) attributes {dimension_semantics = [#tpu.dimension_semantics<arbitrary>], iteration_bounds = array<i64: 8>, scalar_prefetch = 0 : i64, scratch_operands = 0 : i64, tpu.core_type = #tpu.core_type<tc>, window_params = [{transform_indices = @transform_0, window_bounds = array<i64: 256, 1024>}, {pipeline_mode = #tpu.pipeline_mode<synchronous>, transform_indices = @transform_1, window_bounds = array<i64: 1024, 1024>}, {pipeline_mode = #tpu.pipeline_mode<synchronous>, transform_indices = @transform_2, window_bounds = array<i64: 1, 1024>}, {pipeline_mode = #tpu.pipeline_mode<synchronous>, transform_indices = @transform_3, window_bounds = array<i64: 1024, 1024>}, {pipeline_mode = #tpu.pipeline_mode<synchronous>, transform_indices = @transform_4, window_bounds = array<i64: 1, 1024>}, {transform_indices = @transform_5, window_bounds = array<i64: 256, 2048>}]} {
    %get3A = arith.constant 0 : index
    %get3A_0 = arith.constant 0 : index
    %get3A_1 = vector.load %arg1[%get3A, %get3A_0] : memref<256x1024xf32, #tpu.memory_space<vmem>>, vector<256x1024xf32>
    %convert_element_type3A = arith.truncf %get3A_1 : vector<256x1024xf32> to vector<256x1024xbf16>
    %get3A_2 = arith.constant 0 : index
    %get3A_3 = arith.constant 0 : index
    %get3A_4 = vector.load %arg2[%get3A_2, %get3A_3] : memref<1024x1024xf32, #tpu.memory_space<vmem>>, vector<1024x1024xf32>
    %convert_element_type3A_5 = arith.truncf %get3A_4 : vector<1024x1024xf32> to vector<1024x1024xbf16>
    %get3A_6 = arith.constant 0 : index
    %get3A_7 = arith.constant 0 : index
    %get3A_8 = vector.load %arg3[%get3A_6, %get3A_7] : memref<1x1024xf32, #tpu.memory_space<vmem>>, vector<1x1024xf32>
    %dot_general3A = arith.constant dense<0.000000e+00> : vector<256x1024xf32>
    %dot_general3A_9 = tpu.matmul %convert_element_type3A, %convert_element_type3A_5, %dot_general3A {dimension_numbers = #tpu.dot_dimension_numbers<[1], [0], [0], [1], [0, 0, 1, 1], [], []>, transpose_lhs_hint = false} : vector<256x1024xbf16>, vector<1024x1024xbf16>, vector<256x1024xf32> -> vector<256x1024xf32>
    %add3A = vector.broadcast %get3A_8 : vector<1x1024xf32> to vector<256x1024xf32>
    %add3A_10 = arith.addf %dot_general3A_9, %add3A : vector<256x1024xf32>
    %convert_element_type3A_11 = arith.truncf %add3A_10 : vector<256x1024xf32> to vector<256x1024xbf16>
    %swap3A = arith.constant 0 : index
    %swap3A_12 = arith.constant 0 : index
    %swap3A_13 = vector.load %arg6[%swap3A, %swap3A_12] : memref<256x2048xbf16, #tpu.memory_space<vmem>>, vector<256x1024xbf16>
    tpu.vector_store %arg6[%swap3A, %swap3A_12], %convert_element_type3A_11 {strides = array<i32>} : memref<256x2048xbf16, #tpu.memory_space<vmem>>, vector<256x1024xbf16>,
    %get3A_14 = arith.constant 0 : index
    %get3A_15 = arith.constant 0 : index
    %get3A_16 = vector.load %arg4[%get3A_14, %get3A_15] : memref<1024x1024xf32, #tpu.memory_space<vmem>>, vector<1024x1024xf32>
    %convert_element_type3A_17 = arith.truncf %get3A_16 : vector<1024x1024xf32> to vector<1024x1024xbf16>
    %get3A_18 = arith.constant 0 : index
    %get3A_19 = arith.constant 0 : index
    %get3A_20 = vector.load %arg5[%get3A_18, %get3A_19] : memref<1x1024xf32, #tpu.memory_space<vmem>>, vector<1x1024xf32>
    %dot_general3A_21 = arith.constant dense<0.000000e+00> : vector<256x1024xf32>
    %dot_general3A_22 = tpu.matmul %convert_element_type3A, %convert_element_type3A_17, %dot_general3A_21 {dimension_numbers = #tpu.dot_dimension_numbers<[1], [0], [0], [1], [0, 0, 1, 1], [], []>, transpose_lhs_hint = false} : vector<256x1024xbf16>, vector<1024x1024xbf16>, vector<256x1024xf32> -> vector<256x1024xf32>
    %add3A_23 = vector.broadcast %get3A_20 : vector<1x1024xf32> to vector<256x1024xf32>
    %add3A_24 = arith.addf %dot_general3A_22, %add3A_23 : vector<256x1024xf32>
    %convert_element_type3A_25 = arith.truncf %add3A_24 : vector<256x1024xf32> to vector<256x1024xbf16>
    %swap3A_26 = arith.constant 0 : index
    %swap3A_27 = arith.constant 1024 : index
    %swap3A_28 = vector.load %arg6[%swap3A_26, %swap3A_27] : memref<256x2048xbf16, #tpu.memory_space<vmem>>, vector<256x1024xbf16>
    tpu.vector_store %arg6[%swap3A_26, %swap3A_27], %convert_element_type3A_25 {strides = array<i32>} : memref<256x2048xbf16, #tpu.memory_space<vmem>>, vector<256x1024xbf16>,
    return
  }
  func.func @transform_0(%arg0: i32) -> (i32, i32) {
    %c0_i32 = arith.constant 0 : i32
    %c0_i32_0 = arith.constant 0 : i32
    return %arg0, %c0_i32 : i32, i32
  }
  func.func @transform_1(%arg0: i32) -> (i32, i32) {
    %c0_i32 = arith.constant 0 : i32
    %c0_i32_0 = arith.constant 0 : i32
    %c0_i32_1 = arith.constant 0 : i32
    return %c0_i32, %c0_i32_0 : i32, i32
  }
  func.func @transform_2(%arg0: i32) -> (i32, i32) {
    %c0_i32 = arith.constant 0 : i32
    %c0_i32_0 = arith.constant 0 : i32
    %c0_i32_1 = arith.constant 0 : i32
    return %c0_i32, %c0_i32_0 : i32, i32
  }
  func.func @transform_3(%arg0: i32) -> (i32, i32) {
    %c0_i32 = arith.constant 0 : i32
    %c0_i32_0 = arith.constant 0 : i32
    %c0_i32_1 = arith.constant 0 : i32
    return %c0_i32, %c0_i32_0 : i32, i32
  }
  func.func @transform_4(%arg0: i32) -> (i32, i32) {
    %c0_i32 = arith.constant 0 : i32
    %c0_i32_0 = arith.constant 0 : i32
    %c0_i32_1 = arith.constant 0 : i32
    return %c0_i32, %c0_i32_0 : i32, i32
  }
  func.func @transform_5(%arg0: i32) -> (i32, i32) {
    %c0_i32 = arith.constant 0 : i32
    %c0_i32_0 = arith.constant 0 : i32
    return %arg0, %c0_i32 : i32, i32
  }
}

module attributes {stable_mosaic.version = 14 : i64} {
  func.func @_attn_body(%arg0: i32, %arg1: i32, %arg2: memref<512x128xbf16, #tpu.memory_space<vmem>>, %arg3: memref<2048x128xbf16, #tpu.memory_space<vmem>>, %arg4: memref<2048x128xbf16, #tpu.memory_space<vmem>>, %arg5: memref<512x128xbf16, #tpu.memory_space<vmem>>) attributes {dimension_semantics = [#tpu.dimension_semantics<arbitrary>, #tpu.dimension_semantics<arbitrary>], iteration_bounds = array<i64: 8, 4>, scalar_prefetch = 0 : i64, scratch_operands = 0 : i64, tpu.core_type = #tpu.core_type<tc>, window_params = [{transform_indices = @transform_0, window_bounds = array<i64: 512, 128>}, {transform_indices = @transform_1, window_bounds = array<i64: 2048, 128>}, {transform_indices = @transform_2, window_bounds = array<i64: 2048, 128>}, {transform_indices = @transform_3, window_bounds = array<i64: 512, 128>}]} {
    %get3A = arith.constant 0 : index
    %get3A_0 = arith.constant 0 : index
    %get3A_1 = vector.load %arg2[%get3A, %get3A_0] : memref<512x128xbf16, #tpu.memory_space<vmem>>, vector<512x128xbf16>
    %get3A_2 = arith.constant 0 : index
    %get3A_3 = arith.constant 0 : index
    %get3A_4 = vector.load %arg3[%get3A_2, %get3A_3] : memref<2048x128xbf16, #tpu.memory_space<vmem>>, vector<2048x128xbf16>
    %slice3A = vector.extract_strided_slice %get3A_1 {offsets = [0, 0], sizes = [512, 64], strides = [1, 1]} : vector<512x128xbf16> to vector<512x64xbf16>
    %slice3A_5 = vector.extract_strided_slice %get3A_4 {offsets = [0, 0], sizes = [2048, 64], strides = [1, 1]} : vector<2048x128xbf16> to vector<2048x64xbf16>
    %dot_general3A = arith.constant dense<0.000000e+00> : vector<512x2048xf32>
    %dot_general3A_6 = tpu.matmul %slice3A, %slice3A_5, %dot_general3A {dimension_numbers = #tpu.dot_dimension_numbers<[1], [1], [0], [0], [0, 0, 1, 0], [], []>, transpose_lhs_hint = false} : vector<512x64xbf16>, vector<2048x64xbf16>, vector<512x2048xf32> -> vector<512x2048xf32>
    %mul3A = arith.constant 1.250000e-01 : f32
    %mul3A_7 = vector.broadcast %mul3A : f32 to vector<512x2048xf32>
    %mul3A_8 = arith.mulf %dot_general3A_6, %mul3A_7 : vector<512x2048xf32>
    %reduce_max3A = arith.constant dense<0xFF800000> : vector<512xf32>
    %reduce_max3A_9 = vector.multi_reduction <maximumf>, %mul3A_8, %reduce_max3A [1] : vector<512x2048xf32> to vector<512xf32>
    %broadcast_in_dim3A = vector.shape_cast %reduce_max3A_9 : vector<512xf32> to vector<512x1xf32>
    %sub3A = vector.broadcast %broadcast_in_dim3A : vector<512x1xf32> to vector<512x2048xf32>
    %sub3A_10 = arith.subf %mul3A_8, %sub3A : vector<512x2048xf32>
    %exp3A = math.exp %sub3A_10 : vector<512x2048xf32>
    %reduce_sum3A = arith.constant dense<0.000000e+00> : vector<512xf32>
    %reduce_sum3A_11 = vector.multi_reduction <add>, %exp3A, %reduce_sum3A [1] : vector<512x2048xf32> to vector<512xf32>
    %broadcast_in_dim3A_12 = vector.shape_cast %reduce_sum3A_11 : vector<512xf32> to vector<512x1xf32>
    %div3A = arith.constant 1.000000e+00 : f32
    %div3A_13 = vector.broadcast %div3A : f32 to vector<512x1xf32>
    %div3A_14 = arith.divf %div3A_13, %broadcast_in_dim3A_12 : vector<512x1xf32>
    %mul3A_15 = vector.broadcast %div3A_14 : vector<512x1xf32> to vector<512x2048xf32>
    %mul3A_16 = arith.mulf %exp3A, %mul3A_15 : vector<512x2048xf32>
    %get3A_17 = arith.constant 0 : index
    %get3A_18 = arith.constant 0 : index
    %get3A_19 = vector.load %arg4[%get3A_17, %get3A_18] : memref<2048x128xbf16, #tpu.memory_space<vmem>>, vector<2048x64xbf16>
    %convert_element_type3A = arith.truncf %mul3A_16 : vector<512x2048xf32> to vector<512x2048xbf16>
    %dot_general3A_20 = arith.constant dense<0.000000e+00> : vector<512x64xf32>
    %dot_general3A_21 = tpu.matmul %convert_element_type3A, %get3A_19, %dot_general3A_20 {dimension_numbers = #tpu.dot_dimension_numbers<[1], [0], [0], [1], [0, 0, 1, 1], [], []>, transpose_lhs_hint = false} : vector<512x2048xbf16>, vector<2048x64xbf16>, vector<512x64xf32> -> vector<512x64xf32>
    %slice3A_22 = vector.extract_strided_slice %get3A_1 {offsets = [0, 64], sizes = [512, 64], strides = [1, 1]} : vector<512x128xbf16> to vector<512x64xbf16>
    %slice3A_23 = vector.extract_strided_slice %get3A_4 {offsets = [0, 64], sizes = [2048, 64], strides = [1, 1]} : vector<2048x128xbf16> to vector<2048x64xbf16>
    %dot_general3A_24 = arith.constant dense<0.000000e+00> : vector<512x2048xf32>
    %dot_general3A_25 = tpu.matmul %slice3A_22, %slice3A_23, %dot_general3A_24 {dimension_numbers = #tpu.dot_dimension_numbers<[1], [1], [0], [0], [0, 0, 1, 0], [], []>, transpose_lhs_hint = false} : vector<512x64xbf16>, vector<2048x64xbf16>, vector<512x2048xf32> -> vector<512x2048xf32>
    %mul3A_26 = arith.constant 1.250000e-01 : f32
    %mul3A_27 = vector.broadcast %mul3A_26 : f32 to vector<512x2048xf32>
    %mul3A_28 = arith.mulf %dot_general3A_25, %mul3A_27 : vector<512x2048xf32>
    %reduce_max3A_29 = arith.constant dense<0xFF800000> : vector<512xf32>
    %reduce_max3A_30 = vector.multi_reduction <maximumf>, %mul3A_28, %reduce_max3A_29 [1] : vector<512x2048xf32> to vector<512xf32>
    %broadcast_in_dim3A_31 = vector.shape_cast %reduce_max3A_30 : vector<512xf32> to vector<512x1xf32>
    %sub3A_32 = vector.broadcast %broadcast_in_dim3A_31 : vector<512x1xf32> to vector<512x2048xf32>
    %sub3A_33 = arith.subf %mul3A_28, %sub3A_32 : vector<512x2048xf32>
    %exp3A_34 = math.exp %sub3A_33 : vector<512x2048xf32>
    %reduce_sum3A_35 = arith.constant dense<0.000000e+00> : vector<512xf32>
    %reduce_sum3A_36 = vector.multi_reduction <add>, %exp3A_34, %reduce_sum3A_35 [1] : vector<512x2048xf32> to vector<512xf32>
    %broadcast_in_dim3A_37 = vector.shape_cast %reduce_sum3A_36 : vector<512xf32> to vector<512x1xf32>
    %div3A_38 = arith.constant 1.000000e+00 : f32
    %div3A_39 = vector.broadcast %div3A_38 : f32 to vector<512x1xf32>
    %div3A_40 = arith.divf %div3A_39, %broadcast_in_dim3A_37 : vector<512x1xf32>
    %mul3A_41 = vector.broadcast %div3A_40 : vector<512x1xf32> to vector<512x2048xf32>
    %mul3A_42 = arith.mulf %exp3A_34, %mul3A_41 : vector<512x2048xf32>
    %get3A_43 = arith.constant 0 : index
    %get3A_44 = arith.constant 64 : index
    %get3A_45 = vector.load %arg4[%get3A_43, %get3A_44] : memref<2048x128xbf16, #tpu.memory_space<vmem>>, vector<2048x64xbf16>
    %convert_element_type3A_46 = arith.truncf %mul3A_42 : vector<512x2048xf32> to vector<512x2048xbf16>
    %dot_general3A_47 = arith.constant dense<0.000000e+00> : vector<512x64xf32>
    %dot_general3A_48 = tpu.matmul %convert_element_type3A_46, %get3A_45, %dot_general3A_47 {dimension_numbers = #tpu.dot_dimension_numbers<[1], [0], [0], [1], [0, 0, 1, 1], [], []>, transpose_lhs_hint = false} : vector<512x2048xbf16>, vector<2048x64xbf16>, vector<512x64xf32> -> vector<512x64xf32>
    %concatenate3A = tpu.concatenate %dot_general3A_21, %dot_general3A_48 in 1 : vector<512x64xf32>, vector<512x64xf32> -> vector<512x128xf32>
    %convert_element_type3A_49 = arith.truncf %concatenate3A : vector<512x128xf32> to vector<512x128xbf16>
    %swap3A = arith.constant 0 : index
    %swap3A_50 = arith.constant 0 : index
    %swap3A_51 = vector.load %arg5[%swap3A, %swap3A_50] : memref<512x128xbf16, #tpu.memory_space<vmem>>, vector<512x128xbf16>
    tpu.vector_store %arg5[%swap3A, %swap3A_50], %convert_element_type3A_49 {strides = array<i32>} : memref<512x128xbf16, #tpu.memory_space<vmem>>, vector<512x128xbf16>,
    return
  }
  func.func @transform_0(%arg0: i32, %arg1: i32) -> (i32, i32) {
    %add3A = arith.constant 0 : i32
    %add3A_0 = arith.addi %add3A, %arg0 : i32
    %c0_i32 = arith.constant 0 : i32
    return %arg1, %add3A_0 : i32, i32
  }
  func.func @transform_1(%arg0: i32, %arg1: i32) -> (i32, i32) {
    %add3A = arith.constant 0 : i32
    %add3A_0 = arith.addi %add3A, %arg0 : i32
    %c0_i32 = arith.constant 0 : i32
    %c0_i32_1 = arith.constant 0 : i32
    return %c0_i32, %add3A_0 : i32, i32
  }
  func.func @transform_2(%arg0: i32, %arg1: i32) -> (i32, i32) {
    %add3A = arith.constant 8 : i32
    %add3A_0 = arith.addi %add3A, %arg0 : i32
    %c0_i32 = arith.constant 0 : i32
    %c0_i32_1 = arith.constant 0 : i32
    return %c0_i32, %add3A_0 : i32, i32
  }
  func.func @transform_3(%arg0: i32, %arg1: i32) -> (i32, i32) {
    %c0_i32 = arith.constant 0 : i32
    return %arg1, %arg0 : i32, i32
  }
}

module attributes {stable_mosaic.version = 14 : i64} {
  func.func @_route_body(%arg0: memref<2048x1024xbf16, #tpu.memory_space<vmem>>, %arg1: memref<1024x64xf32, #tpu.memory_space<vmem>>, %arg2: memref<1x64xf32, #tpu.memory_space<vmem>>, %arg3: memref<2048x2xi32, #tpu.memory_space<vmem>>, %arg4: memref<2048x2xf32, #tpu.memory_space<vmem>>, %arg5: memref<64x80xi32, #tpu.memory_space<vmem>>) attributes {dimension_semantics = [], scalar_prefetch = 0 : i64, scratch_operands = 0 : i64, tpu.core_type = #tpu.core_type<tc>} {
    %get3A = arith.constant 0 : index
    %get3A_0 = arith.constant 0 : index
    %get3A_1 = vector.load %arg0[%get3A, %get3A_0] : memref<2048x1024xbf16, #tpu.memory_space<vmem>>, vector<2048x1024xbf16>
    %get3A_2 = arith.constant 0 : index
    %get3A_3 = arith.constant 0 : index
    %get3A_4 = vector.load %arg1[%get3A_2, %get3A_3] : memref<1024x64xf32, #tpu.memory_space<vmem>>, vector<1024x64xf32>
    %convert_element_type3A = arith.truncf %get3A_4 : vector<1024x64xf32> to vector<1024x64xbf16>
    %dot_general3A = arith.constant dense<0.000000e+00> : vector<2048x64xf32>
    %dot_general3A_5 = tpu.matmul %get3A_1, %convert_element_type3A, %dot_general3A {dimension_numbers = #tpu.dot_dimension_numbers<[1], [0], [0], [1], [0, 0, 1, 1], [], []>, transpose_lhs_hint = false} : vector<2048x1024xbf16>, vector<1024x64xbf16>, vector<2048x64xf32> -> vector<2048x64xf32>
    %get3A_6 = arith.constant 0 : index
    %get3A_7 = arith.constant 0 : index
    %get3A_8 = vector.load %arg2[%get3A_6, %get3A_7] : memref<1x64xf32, #tpu.memory_space<vmem>>, vector<1x64xf32>
    %add3A = vector.broadcast %get3A_8 : vector<1x64xf32> to vector<2048x64xf32>
    %add3A_9 = arith.addf %dot_general3A_5, %add3A : vector<2048x64xf32>
    %reduce_max3A = arith.constant dense<0xFF800000> : vector<2048xf32>
    %reduce_max3A_10 = vector.multi_reduction <maximumf>, %add3A_9, %reduce_max3A [1] : vector<2048x64xf32> to vector<2048xf32>
    %broadcast_in_dim3A = vector.shape_cast %reduce_max3A_10 : vector<2048xf32> to vector<2048x1xf32>
    %sub3A = vector.broadcast %broadcast_in_dim3A : vector<2048x1xf32> to vector<2048x64xf32>
    %sub3A_11 = arith.subf %add3A_9, %sub3A : vector<2048x64xf32>
    %exp3A = math.exp %sub3A_11 : vector<2048x64xf32>
    %reduce_sum3A = arith.constant dense<0.000000e+00> : vector<2048xf32>
    %reduce_sum3A_12 = vector.multi_reduction <add>, %exp3A, %reduce_sum3A [1] : vector<2048x64xf32> to vector<2048xf32>
    %broadcast_in_dim3A_13 = vector.shape_cast %reduce_sum3A_12 : vector<2048xf32> to vector<2048x1xf32>
    %div3A = vector.broadcast %broadcast_in_dim3A_13 : vector<2048x1xf32> to vector<2048x64xf32>
    %div3A_14 = arith.divf %exp3A, %div3A : vector<2048x64xf32>
    %iota3A = tpu.iota {dimensions = array<i32: 1>} : vector<2048x64xi32>
    %reduce_max3A_15 = arith.constant dense<0xFF800000> : vector<2048xf32>
    %reduce_max3A_16 = vector.multi_reduction <maximumf>, %div3A_14, %reduce_max3A_15 [1] : vector<2048x64xf32> to vector<2048xf32>
    %broadcast_in_dim3A_17 = vector.shape_cast %reduce_max3A_16 : vector<2048xf32> to vector<2048x1xf32>
    %eq3A = vector.broadcast %broadcast_in_dim3A_17 : vector<2048x1xf32> to vector<2048x64xf32>
    %eq3A_18 = arith.cmpf oeq, %div3A_14, %eq3A : vector<2048x64xf32>
    %jit3A = arith.constant 64 : i32
    %broadcast_in_dim3A_19 = vector.broadcast %jit3A : i32 to vector<2048x64xi32>
    %select_n3A = arith.select %eq3A_18, %iota3A, %broadcast_in_dim3A_19 : vector<2048x64xi1>, vector<2048x64xi32>
    %reduce_min3A = arith.constant dense<2147483647> : vector<2048xi32>
    %reduce_min3A_20 = vector.multi_reduction <minsi>, %select_n3A, %reduce_min3A [1] : vector<2048x64xi32> to vector<2048xi32>
    %broadcast_in_dim3A_21 = vector.shape_cast %reduce_min3A_20 : vector<2048xi32> to vector<2048x1xi32>
    %eq3A_22 = vector.broadcast %broadcast_in_dim3A_21 : vector<2048x1xi32> to vector<2048x64xi32>
    %eq3A_23 = arith.cmpi eq, %iota3A, %eq3A_22 : vector<2048x64xi32>
    %neg3A = arith.constant 0.000000e+00 : f32
    %neg3A_24 = arith.constant 1.000000e+30 : f32
    %neg3A_25 = arith.subf %neg3A, %neg3A_24 : f32
    %broadcast_in_dim3A_26 = vector.broadcast %neg3A_25 : f32 to vector<2048x64xf32>
    %select_n3A_27 = arith.select %eq3A_23, %broadcast_in_dim3A_26, %div3A_14 : vector<2048x64xi1>, vector<2048x64xf32>
    %reduce_max3A_28 = arith.constant dense<0xFF800000> : vector<2048xf32>
    %reduce_max3A_29 = vector.multi_reduction <maximumf>, %select_n3A_27, %reduce_max3A_28 [1] : vector<2048x64xf32> to vector<2048xf32>
    %broadcast_in_dim3A_30 = vector.shape_cast %reduce_max3A_29 : vector<2048xf32> to vector<2048x1xf32>
    %eq3A_31 = vector.broadcast %broadcast_in_dim3A_30 : vector<2048x1xf32> to vector<2048x64xf32>
    %eq3A_32 = arith.cmpf oeq, %select_n3A_27, %eq3A_31 : vector<2048x64xf32>
    %jit3A_33 = arith.constant 64 : i32
    %broadcast_in_dim3A_34 = vector.broadcast %jit3A_33 : i32 to vector<2048x64xi32>
    %select_n3A_35 = arith.select %eq3A_32, %iota3A, %broadcast_in_dim3A_34 : vector<2048x64xi1>, vector<2048x64xi32>
    %reduce_min3A_36 = arith.constant dense<2147483647> : vector<2048xi32>
    %reduce_min3A_37 = vector.multi_reduction <minsi>, %select_n3A_35, %reduce_min3A_36 [1] : vector<2048x64xi32> to vector<2048xi32>
    %broadcast_in_dim3A_38 = vector.shape_cast %reduce_min3A_37 : vector<2048xi32> to vector<2048x1xi32>
    %add3A_39 = arith.addf %broadcast_in_dim3A_17, %broadcast_in_dim3A_30 : vector<2048x1xf32>
    %div3A_40 = arith.divf %broadcast_in_dim3A_17, %add3A_39 : vector<2048x1xf32>
    %div3A_41 = arith.divf %broadcast_in_dim3A_30, %add3A_39 : vector<2048x1xf32>
    %eq3A_42 = vector.broadcast %broadcast_in_dim3A_21 : vector<2048x1xi32> to vector<2048x64xi32>
    %eq3A_43 = arith.cmpi eq, %iota3A, %eq3A_42 : vector<2048x64xi32>
    %convert_element_type3A_44 = arith.extui %eq3A_43 : vector<2048x64xi1> to vector<2048x64xi32>
    %convert_element_type3A_45 = arith.sitofp %convert_element_type3A_44 : vector<2048x64xi32> to vector<2048x64xf32>
    %eq3A_46 = vector.broadcast %broadcast_in_dim3A_38 : vector<2048x1xi32> to vector<2048x64xi32>
    %eq3A_47 = arith.cmpi eq, %iota3A, %eq3A_46 : vector<2048x64xi32>
    %convert_element_type3A_48 = arith.extui %eq3A_47 : vector<2048x64xi1> to vector<2048x64xi32>
    %convert_element_type3A_49 = arith.sitofp %convert_element_type3A_48 : vector<2048x64xi32> to vector<2048x64xf32>
    %iota3A_50 = tpu.iota {dimensions = array<i32: 0>} : vector<256x256xi32>
    %iota3A_51 = tpu.iota {dimensions = array<i32: 1>} : vector<256x256xi32>
    %ge3A = arith.cmpi sge, %iota3A_50, %iota3A_51 : vector<256x256xi32>
    %convert_element_type3A_52 = arith.extui %ge3A : vector<256x256xi1> to vector<256x256xi32>
    %convert_element_type3A_53 = arith.sitofp %convert_element_type3A_52 : vector<256x256xi32> to vector<256x256xf32>
    %broadcast_in_dim3A_54 = arith.constant 0.000000e+00 : f32
    %broadcast_in_dim3A_55 = vector.broadcast %broadcast_in_dim3A_54 : f32 to vector<1x64xf32>
    %broadcast_in_dim3A_56 = arith.constant 0.000000e+00 : f32
    %broadcast_in_dim3A_57 = vector.broadcast %broadcast_in_dim3A_56 : f32 to vector<1x64xf32>
    %slice3A = vector.extract_strided_slice %convert_element_type3A_45 {offsets = [0, 0], sizes = [256, 64], strides = [1, 1]} : vector<2048x64xf32> to vector<256x64xf32>
    %slice3A_58 = vector.extract_strided_slice %convert_element_type3A_49 {offsets = [0, 0], sizes = [256, 64], strides = [1, 1]} : vector<2048x64xf32> to vector<256x64xf32>
    %dot_general3A_59 = arith.constant dense<0.000000e+00> : vector<256x64xf32>
    %dot_general3A_60 = tpu.matmul %convert_element_type3A_53, %slice3A, %dot_general3A_59 {dimension_numbers = #tpu.dot_dimension_numbers<[1], [0], [0], [1], [0, 0, 1, 1], [], []>, transpose_lhs_hint = false} : vector<256x256xf32>, vector<256x64xf32>, vector<256x64xf32> -> vector<256x64xf32>
    %add3A_61 = vector.broadcast %broadcast_in_dim3A_55 : vector<1x64xf32> to vector<256x64xf32>
    %add3A_62 = arith.addf %dot_general3A_60, %add3A_61 : vector<256x64xf32>
    %dot_general3A_63 = arith.constant dense<0.000000e+00> : vector<256x64xf32>
    %dot_general3A_64 = tpu.matmul %convert_element_type3A_53, %slice3A_58, %dot_general3A_63 {dimension_numbers = #tpu.dot_dimension_numbers<[1], [0], [0], [1], [0, 0, 1, 1], [], []>, transpose_lhs_hint = false} : vector<256x256xf32>, vector<256x64xf32>, vector<256x64xf32> -> vector<256x64xf32>
    %add3A_65 = vector.broadcast %broadcast_in_dim3A_57 : vector<1x64xf32> to vector<256x64xf32>
    %add3A_66 = arith.addf %dot_general3A_64, %add3A_65 : vector<256x64xf32>
    %add3A_67 = arith.addf %add3A_62, %add3A_66 : vector<256x64xf32>
    %sub3A_68 = arith.subf %add3A_67, %slice3A_58 : vector<256x64xf32>
    %mul3A = arith.mulf %sub3A_68, %slice3A : vector<256x64xf32>
    %reduce_sum3A_69 = arith.constant dense<0.000000e+00> : vector<256xf32>
    %reduce_sum3A_70 = vector.multi_reduction <add>, %mul3A, %reduce_sum3A_69 [1] : vector<256x64xf32> to vector<256xf32>
    %broadcast_in_dim3A_71 = vector.shape_cast %reduce_sum3A_70 : vector<256xf32> to vector<256x1xf32>
    %sub3A_72 = arith.constant 1.000000e+00 : f32
    %sub3A_73 = vector.broadcast %sub3A_72 : f32 to vector<256x1xf32>
    %sub3A_74 = arith.subf %broadcast_in_dim3A_71, %sub3A_73 : vector<256x1xf32>
    %mul3A_75 = arith.mulf %add3A_67, %slice3A_58 : vector<256x64xf32>
    %reduce_sum3A_76 = arith.constant dense<0.000000e+00> : vector<256xf32>
    %reduce_sum3A_77 = vector.multi_reduction <add>, %mul3A_75, %reduce_sum3A_76 [1] : vector<256x64xf32> to vector<256xf32>
    %broadcast_in_dim3A_78 = vector.shape_cast %reduce_sum3A_77 : vector<256xf32> to vector<256x1xf32>
    %sub3A_79 = arith.constant 1.000000e+00 : f32
    %sub3A_80 = vector.broadcast %sub3A_79 : f32 to vector<256x1xf32>
    %sub3A_81 = arith.subf %broadcast_in_dim3A_78, %sub3A_80 : vector<256x1xf32>
    %slice3A_82 = vector.extract_strided_slice %add3A_62 {offsets = [255, 0], sizes = [1, 64], strides = [1, 1]} : vector<256x64xf32> to vector<1x64xf32>
    %slice3A_83 = vector.extract_strided_slice %add3A_66 {offsets = [255, 0], sizes = [1, 64], strides = [1, 1]} : vector<256x64xf32> to vector<1x64xf32>
    %slice3A_84 = vector.extract_strided_slice %convert_element_type3A_45 {offsets = [256, 0], sizes = [256, 64], strides = [1, 1]} : vector<2048x64xf32> to vector<256x64xf32>
    %slice3A_85 = vector.extract_strided_slice %convert_element_type3A_49 {offsets = [256, 0], sizes = [256, 64], strides = [1, 1]} : vector<2048x64xf32> to vector<256x64xf32>
    %dot_general3A_86 = arith.constant dense<0.000000e+00> : vector<256x64xf32>
    %dot_general3A_87 = tpu.matmul %convert_element_type3A_53, %slice3A_84, %dot_general3A_86 {dimension_numbers = #tpu.dot_dimension_numbers<[1], [0], [0], [1], [0, 0, 1, 1], [], []>, transpose_lhs_hint = false} : vector<256x256xf32>, vector<256x64xf32>, vector<256x64xf32> -> vector<256x64xf32>
    %add3A_88 = vector.broadcast %slice3A_82 : vector<1x64xf32> to vector<256x64xf32>
    %add3A_89 = arith.addf %dot_general3A_87, %add3A_88 : vector<256x64xf32>
    %dot_general3A_90 = arith.constant dense<0.000000e+00> : vector<256x64xf32>
    %dot_general3A_91 = tpu.matmul %convert_element_type3A_53, %slice3A_85, %dot_general3A_90 {dimension_numbers = #tpu.dot_dimension_numbers<[1], [0], [0], [1], [0, 0, 1, 1], [], []>, transpose_lhs_hint = false} : vector<256x256xf32>, vector<256x64xf32>, vector<256x64xf32> -> vector<256x64xf32>
    %add3A_92 = vector.broadcast %slice3A_83 : vector<1x64xf32> to vector<256x64xf32>
    %add3A_93 = arith.addf %dot_general3A_91, %add3A_92 : vector<256x64xf32>
    %add3A_94 = arith.addf %add3A_89, %add3A_93 : vector<256x64xf32>
    %sub3A_95 = arith.subf %add3A_94, %slice3A_85 : vector<256x64xf32>
    %mul3A_96 = arith.mulf %sub3A_95, %slice3A_84 : vector<256x64xf32>
    %reduce_sum3A_97 = arith.constant dense<0.000000e+00> : vector<256xf32>
    %reduce_sum3A_98 = vector.multi_reduction <add>, %mul3A_96, %reduce_sum3A_97 [1] : vector<256x64xf32> to vector<256xf32>
    %broadcast_in_dim3A_99 = vector.shape_cast %reduce_sum3A_98 : vector<256xf32> to vector<256x1xf32>
    %sub3A_100 = arith.constant 1.000000e+00 : f32
    %sub3A_101 = vector.broadcast %sub3A_100 : f32 to vector<256x1xf32>
    %sub3A_102 = arith.subf %broadcast_in_dim3A_99, %sub3A_101 : vector<256x1xf32>
    %mul3A_103 = arith.mulf %add3A_94, %slice3A_85 : vector<256x64xf32>
    %reduce_sum3A_104 = arith.constant dense<0.000000e+00> : vector<256xf32>
    %reduce_sum3A_105 = vector.multi_reduction <add>, %mul3A_103, %reduce_sum3A_104 [1] : vector<256x64xf32> to vector<256xf32>
    %broadcast_in_dim3A_106 = vector.shape_cast %reduce_sum3A_105 : vector<256xf32> to vector<256x1xf32>
    %sub3A_107 = arith.constant 1.000000e+00 : f32
    %sub3A_108 = vector.broadcast %sub3A_107 : f32 to vector<256x1xf32>
    %sub3A_109 = arith.subf %broadcast_in_dim3A_106, %sub3A_108 : vector<256x1xf32>
    %slice3A_110 = vector.extract_strided_slice %add3A_89 {offsets = [255, 0], sizes = [1, 64], strides = [1, 1]} : vector<256x64xf32> to vector<1x64xf32>
    %slice3A_111 = vector.extract_strided_slice %add3A_93 {offsets = [255, 0], sizes = [1, 64], strides = [1, 1]} : vector<256x64xf32> to vector<1x64xf32>
    %slice3A_112 = vector.extract_strided_slice %convert_element_type3A_45 {offsets = [512, 0], sizes = [256, 64], strides = [1, 1]} : vector<2048x64xf32> to vector<256x64xf32>
    %slice3A_113 = vector.extract_strided_slice %convert_element_type3A_49 {offsets = [512, 0], sizes = [256, 64], strides = [1, 1]} : vector<2048x64xf32> to vector<256x64xf32>
    %dot_general3A_114 = arith.constant dense<0.000000e+00> : vector<256x64xf32>
    %dot_general3A_115 = tpu.matmul %convert_element_type3A_53, %slice3A_112, %dot_general3A_114 {dimension_numbers = #tpu.dot_dimension_numbers<[1], [0], [0], [1], [0, 0, 1, 1], [], []>, transpose_lhs_hint = false} : vector<256x256xf32>, vector<256x64xf32>, vector<256x64xf32> -> vector<256x64xf32>
    %add3A_116 = vector.broadcast %slice3A_110 : vector<1x64xf32> to vector<256x64xf32>
    %add3A_117 = arith.addf %dot_general3A_115, %add3A_116 : vector<256x64xf32>
    %dot_general3A_118 = arith.constant dense<0.000000e+00> : vector<256x64xf32>
    %dot_general3A_119 = tpu.matmul %convert_element_type3A_53, %slice3A_113, %dot_general3A_118 {dimension_numbers = #tpu.dot_dimension_numbers<[1], [0], [0], [1], [0, 0, 1, 1], [], []>, transpose_lhs_hint = false} : vector<256x256xf32>, vector<256x64xf32>, vector<256x64xf32> -> vector<256x64xf32>
    %add3A_120 = vector.broadcast %slice3A_111 : vector<1x64xf32> to vector<256x64xf32>
    %add3A_121 = arith.addf %dot_general3A_119, %add3A_120 : vector<256x64xf32>
    %add3A_122 = arith.addf %add3A_117, %add3A_121 : vector<256x64xf32>
    %sub3A_123 = arith.subf %add3A_122, %slice3A_113 : vector<256x64xf32>
    %mul3A_124 = arith.mulf %sub3A_123, %slice3A_112 : vector<256x64xf32>
    %reduce_sum3A_125 = arith.constant dense<0.000000e+00> : vector<256xf32>
    %reduce_sum3A_126 = vector.multi_reduction <add>, %mul3A_124, %reduce_sum3A_125 [1] : vector<256x64xf32> to vector<256xf32>
    %broadcast_in_dim3A_127 = vector.shape_cast %reduce_sum3A_126 : vector<256xf32> to vector<256x1xf32>
    %sub3A_128 = arith.constant 1.000000e+00 : f32
    %sub3A_129 = vector.broadcast %sub3A_128 : f32 to vector<256x1xf32>
    %sub3A_130 = arith.subf %broadcast_in_dim3A_127, %sub3A_129 : vector<256x1xf32>
    %mul3A_131 = arith.mulf %add3A_122, %slice3A_113 : vector<256x64xf32>
    %reduce_sum3A_132 = arith.constant dense<0.000000e+00> : vector<256xf32>
    %reduce_sum3A_133 = vector.multi_reduction <add>, %mul3A_131, %reduce_sum3A_132 [1] : vector<256x64xf32> to vector<256xf32>
    %broadcast_in_dim3A_134 = vector.shape_cast %reduce_sum3A_133 : vector<256xf32> to vector<256x1xf32>
    %sub3A_135 = arith.constant 1.000000e+00 : f32
    %sub3A_136 = vector.broadcast %sub3A_135 : f32 to vector<256x1xf32>
    %sub3A_137 = arith.subf %broadcast_in_dim3A_134, %sub3A_136 : vector<256x1xf32>
    %slice3A_138 = vector.extract_strided_slice %add3A_117 {offsets = [255, 0], sizes = [1, 64], strides = [1, 1]} : vector<256x64xf32> to vector<1x64xf32>
    %slice3A_139 = vector.extract_strided_slice %add3A_121 {offsets = [255, 0], sizes = [1, 64], strides = [1, 1]} : vector<256x64xf32> to vector<1x64xf32>
    %slice3A_140 = vector.extract_strided_slice %convert_element_type3A_45 {offsets = [768, 0], sizes = [256, 64], strides = [1, 1]} : vector<2048x64xf32> to vector<256x64xf32>
    %slice3A_141 = vector.extract_strided_slice %convert_element_type3A_49 {offsets = [768, 0], sizes = [256, 64], strides = [1, 1]} : vector<2048x64xf32> to vector<256x64xf32>
    %dot_general3A_142 = arith.constant dense<0.000000e+00> : vector<256x64xf32>
    %dot_general3A_143 = tpu.matmul %convert_element_type3A_53, %slice3A_140, %dot_general3A_142 {dimension_numbers = #tpu.dot_dimension_numbers<[1], [0], [0], [1], [0, 0, 1, 1], [], []>, transpose_lhs_hint = false} : vector<256x256xf32>, vector<256x64xf32>, vector<256x64xf32> -> vector<256x64xf32>
    %add3A_144 = vector.broadcast %slice3A_138 : vector<1x64xf32> to vector<256x64xf32>
    %add3A_145 = arith.addf %dot_general3A_143, %add3A_144 : vector<256x64xf32>
    %dot_general3A_146 = arith.constant dense<0.000000e+00> : vector<256x64xf32>
    %dot_general3A_147 = tpu.matmul %convert_element_type3A_53, %slice3A_141, %dot_general3A_146 {dimension_numbers = #tpu.dot_dimension_numbers<[1], [0], [0], [1], [0, 0, 1, 1], [], []>, transpose_lhs_hint = false} : vector<256x256xf32>, vector<256x64xf32>, vector<256x64xf32> -> vector<256x64xf32>
    %add3A_148 = vector.broadcast %slice3A_139 : vector<1x64xf32> to vector<256x64xf32>
    %add3A_149 = arith.addf %dot_general3A_147, %add3A_148 : vector<256x64xf32>
    %add3A_150 = arith.addf %add3A_145, %add3A_149 : vector<256x64xf32>
    %sub3A_151 = arith.subf %add3A_150, %slice3A_141 : vector<256x64xf32>
    %mul3A_152 = arith.mulf %sub3A_151, %slice3A_140 : vector<256x64xf32>
    %reduce_sum3A_153 = arith.constant dense<0.000000e+00> : vector<256xf32>
    %reduce_sum3A_154 = vector.multi_reduction <add>, %mul3A_152, %reduce_sum3A_153 [1] : vector<256x64xf32> to vector<256xf32>
    %broadcast_in_dim3A_155 = vector.shape_cast %reduce_sum3A_154 : vector<256xf32> to vector<256x1xf32>
    %sub3A_156 = arith.constant 1.000000e+00 : f32
    %sub3A_157 = vector.broadcast %sub3A_156 : f32 to vector<256x1xf32>
    %sub3A_158 = arith.subf %broadcast_in_dim3A_155, %sub3A_157 : vector<256x1xf32>
    %mul3A_159 = arith.mulf %add3A_150, %slice3A_141 : vector<256x64xf32>
    %reduce_sum3A_160 = arith.constant dense<0.000000e+00> : vector<256xf32>
    %reduce_sum3A_161 = vector.multi_reduction <add>, %mul3A_159, %reduce_sum3A_160 [1] : vector<256x64xf32> to vector<256xf32>
    %broadcast_in_dim3A_162 = vector.shape_cast %reduce_sum3A_161 : vector<256xf32> to vector<256x1xf32>
    %sub3A_163 = arith.constant 1.000000e+00 : f32
    %sub3A_164 = vector.broadcast %sub3A_163 : f32 to vector<256x1xf32>
    %sub3A_165 = arith.subf %broadcast_in_dim3A_162, %sub3A_164 : vector<256x1xf32>
    %slice3A_166 = vector.extract_strided_slice %add3A_145 {offsets = [255, 0], sizes = [1, 64], strides = [1, 1]} : vector<256x64xf32> to vector<1x64xf32>
    %slice3A_167 = vector.extract_strided_slice %add3A_149 {offsets = [255, 0], sizes = [1, 64], strides = [1, 1]} : vector<256x64xf32> to vector<1x64xf32>
    %slice3A_168 = vector.extract_strided_slice %convert_element_type3A_45 {offsets = [1024, 0], sizes = [256, 64], strides = [1, 1]} : vector<2048x64xf32> to vector<256x64xf32>
    %slice3A_169 = vector.extract_strided_slice %convert_element_type3A_49 {offsets = [1024, 0], sizes = [256, 64], strides = [1, 1]} : vector<2048x64xf32> to vector<256x64xf32>
    %dot_general3A_170 = arith.constant dense<0.000000e+00> : vector<256x64xf32>
    %dot_general3A_171 = tpu.matmul %convert_element_type3A_53, %slice3A_168, %dot_general3A_170 {dimension_numbers = #tpu.dot_dimension_numbers<[1], [0], [0], [1], [0, 0, 1, 1], [], []>, transpose_lhs_hint = false} : vector<256x256xf32>, vector<256x64xf32>, vector<256x64xf32> -> vector<256x64xf32>
    %add3A_172 = vector.broadcast %slice3A_166 : vector<1x64xf32> to vector<256x64xf32>
    %add3A_173 = arith.addf %dot_general3A_171, %add3A_172 : vector<256x64xf32>
    %dot_general3A_174 = arith.constant dense<0.000000e+00> : vector<256x64xf32>
    %dot_general3A_175 = tpu.matmul %convert_element_type3A_53, %slice3A_169, %dot_general3A_174 {dimension_numbers = #tpu.dot_dimension_numbers<[1], [0], [0], [1], [0, 0, 1, 1], [], []>, transpose_lhs_hint = false} : vector<256x256xf32>, vector<256x64xf32>, vector<256x64xf32> -> vector<256x64xf32>
    %add3A_176 = vector.broadcast %slice3A_167 : vector<1x64xf32> to vector<256x64xf32>
    %add3A_177 = arith.addf %dot_general3A_175, %add3A_176 : vector<256x64xf32>
    %add3A_178 = arith.addf %add3A_173, %add3A_177 : vector<256x64xf32>
    %sub3A_179 = arith.subf %add3A_178, %slice3A_169 : vector<256x64xf32>
    %mul3A_180 = arith.mulf %sub3A_179, %slice3A_168 : vector<256x64xf32>
    %reduce_sum3A_181 = arith.constant dense<0.000000e+00> : vector<256xf32>
    %reduce_sum3A_182 = vector.multi_reduction <add>, %mul3A_180, %reduce_sum3A_181 [1] : vector<256x64xf32> to vector<256xf32>
    %broadcast_in_dim3A_183 = vector.shape_cast %reduce_sum3A_182 : vector<256xf32> to vector<256x1xf32>
    %sub3A_184 = arith.constant 1.000000e+00 : f32
    %sub3A_185 = vector.broadcast %sub3A_184 : f32 to vector<256x1xf32>
    %sub3A_186 = arith.subf %broadcast_in_dim3A_183, %sub3A_185 : vector<256x1xf32>
    %mul3A_187 = arith.mulf %add3A_178, %slice3A_169 : vector<256x64xf32>
    %reduce_sum3A_188 = arith.constant dense<0.000000e+00> : vector<256xf32>
    %reduce_sum3A_189 = vector.multi_reduction <add>, %mul3A_187, %reduce_sum3A_188 [1] : vector<256x64xf32> to vector<256xf32>
    %broadcast_in_dim3A_190 = vector.shape_cast %reduce_sum3A_189 : vector<256xf32> to vector<256x1xf32>
    %sub3A_191 = arith.constant 1.000000e+00 : f32
    %sub3A_192 = vector.broadcast %sub3A_191 : f32 to vector<256x1xf32>
    %sub3A_193 = arith.subf %broadcast_in_dim3A_190, %sub3A_192 : vector<256x1xf32>
    %slice3A_194 = vector.extract_strided_slice %add3A_173 {offsets = [255, 0], sizes = [1, 64], strides = [1, 1]} : vector<256x64xf32> to vector<1x64xf32>
    %slice3A_195 = vector.extract_strided_slice %add3A_177 {offsets = [255, 0], sizes = [1, 64], strides = [1, 1]} : vector<256x64xf32> to vector<1x64xf32>
    %slice3A_196 = vector.extract_strided_slice %convert_element_type3A_45 {offsets = [1280, 0], sizes = [256, 64], strides = [1, 1]} : vector<2048x64xf32> to vector<256x64xf32>
    %slice3A_197 = vector.extract_strided_slice %convert_element_type3A_49 {offsets = [1280, 0], sizes = [256, 64], strides = [1, 1]} : vector<2048x64xf32> to vector<256x64xf32>
    %dot_general3A_198 = arith.constant dense<0.000000e+00> : vector<256x64xf32>
    %dot_general3A_199 = tpu.matmul %convert_element_type3A_53, %slice3A_196, %dot_general3A_198 {dimension_numbers = #tpu.dot_dimension_numbers<[1], [0], [0], [1], [0, 0, 1, 1], [], []>, transpose_lhs_hint = false} : vector<256x256xf32>, vector<256x64xf32>, vector<256x64xf32> -> vector<256x64xf32>
    %add3A_200 = vector.broadcast %slice3A_194 : vector<1x64xf32> to vector<256x64xf32>
    %add3A_201 = arith.addf %dot_general3A_199, %add3A_200 : vector<256x64xf32>
    %dot_general3A_202 = arith.constant dense<0.000000e+00> : vector<256x64xf32>
    %dot_general3A_203 = tpu.matmul %convert_element_type3A_53, %slice3A_197, %dot_general3A_202 {dimension_numbers = #tpu.dot_dimension_numbers<[1], [0], [0], [1], [0, 0, 1, 1], [], []>, transpose_lhs_hint = false} : vector<256x256xf32>, vector<256x64xf32>, vector<256x64xf32> -> vector<256x64xf32>
    %add3A_204 = vector.broadcast %slice3A_195 : vector<1x64xf32> to vector<256x64xf32>
    %add3A_205 = arith.addf %dot_general3A_203, %add3A_204 : vector<256x64xf32>
    %add3A_206 = arith.addf %add3A_201, %add3A_205 : vector<256x64xf32>
    %sub3A_207 = arith.subf %add3A_206, %slice3A_197 : vector<256x64xf32>
    %mul3A_208 = arith.mulf %sub3A_207, %slice3A_196 : vector<256x64xf32>
    %reduce_sum3A_209 = arith.constant dense<0.000000e+00> : vector<256xf32>
    %reduce_sum3A_210 = vector.multi_reduction <add>, %mul3A_208, %reduce_sum3A_209 [1] : vector<256x64xf32> to vector<256xf32>
    %broadcast_in_dim3A_211 = vector.shape_cast %reduce_sum3A_210 : vector<256xf32> to vector<256x1xf32>
    %sub3A_212 = arith.constant 1.000000e+00 : f32
    %sub3A_213 = vector.broadcast %sub3A_212 : f32 to vector<256x1xf32>
    %sub3A_214 = arith.subf %broadcast_in_dim3A_211, %sub3A_213 : vector<256x1xf32>
    %mul3A_215 = arith.mulf %add3A_206, %slice3A_197 : vector<256x64xf32>
    %reduce_sum3A_216 = arith.constant dense<0.000000e+00> : vector<256xf32>
    %reduce_sum3A_217 = vector.multi_reduction <add>, %mul3A_215, %reduce_sum3A_216 [1] : vector<256x64xf32> to vector<256xf32>
    %broadcast_in_dim3A_218 = vector.shape_cast %reduce_sum3A_217 : vector<256xf32> to vector<256x1xf32>
    %sub3A_219 = arith.constant 1.000000e+00 : f32
    %sub3A_220 = vector.broadcast %sub3A_219 : f32 to vector<256x1xf32>
    %sub3A_221 = arith.subf %broadcast_in_dim3A_218, %sub3A_220 : vector<256x1xf32>
    %slice3A_222 = vector.extract_strided_slice %add3A_201 {offsets = [255, 0], sizes = [1, 64], strides = [1, 1]} : vector<256x64xf32> to vector<1x64xf32>
    %slice3A_223 = vector.extract_strided_slice %add3A_205 {offsets = [255, 0], sizes = [1, 64], strides = [1, 1]} : vector<256x64xf32> to vector<1x64xf32>
    %slice3A_224 = vector.extract_strided_slice %convert_element_type3A_45 {offsets = [1536, 0], sizes = [256, 64], strides = [1, 1]} : vector<2048x64xf32> to vector<256x64xf32>
    %slice3A_225 = vector.extract_strided_slice %convert_element_type3A_49 {offsets = [1536, 0], sizes = [256, 64], strides = [1, 1]} : vector<2048x64xf32> to vector<256x64xf32>
    %dot_general3A_226 = arith.constant dense<0.000000e+00> : vector<256x64xf32>
    %dot_general3A_227 = tpu.matmul %convert_element_type3A_53, %slice3A_224, %dot_general3A_226 {dimension_numbers = #tpu.dot_dimension_numbers<[1], [0], [0], [1], [0, 0, 1, 1], [], []>, transpose_lhs_hint = false} : vector<256x256xf32>, vector<256x64xf32>, vector<256x64xf32> -> vector<256x64xf32>
    %add3A_228 = vector.broadcast %slice3A_222 : vector<1x64xf32> to vector<256x64xf32>
    %add3A_229 = arith.addf %dot_general3A_227, %add3A_228 : vector<256x64xf32>
    %dot_general3A_230 = arith.constant dense<0.000000e+00> : vector<256x64xf32>
    %dot_general3A_231 = tpu.matmul %convert_element_type3A_53, %slice3A_225, %dot_general3A_230 {dimension_numbers = #tpu.dot_dimension_numbers<[1], [0], [0], [1], [0, 0, 1, 1], [], []>, transpose_lhs_hint = false} : vector<256x256xf32>, vector<256x64xf32>, vector<256x64xf32> -> vector<256x64xf32>
    %add3A_232 = vector.broadcast %slice3A_223 : vector<1x64xf32> to vector<256x64xf32>
    %add3A_233 = arith.addf %dot_general3A_231, %add3A_232 : vector<256x64xf32>
    %add3A_234 = arith.addf %add3A_229, %add3A_233 : vector<256x64xf32>
    %sub3A_235 = arith.subf %add3A_234, %slice3A_225 : vector<256x64xf32>
    %mul3A_236 = arith.mulf %sub3A_235, %slice3A_224 : vector<256x64xf32>
    %reduce_sum3A_237 = arith.constant dense<0.000000e+00> : vector<256xf32>
    %reduce_sum3A_238 = vector.multi_reduction <add>, %mul3A_236, %reduce_sum3A_237 [1] : vector<256x64xf32> to vector<256xf32>
    %broadcast_in_dim3A_239 = vector.shape_cast %reduce_sum3A_238 : vector<256xf32> to vector<256x1xf32>
    %sub3A_240 = arith.constant 1.000000e+00 : f32
    %sub3A_241 = vector.broadcast %sub3A_240 : f32 to vector<256x1xf32>
    %sub3A_242 = arith.subf %broadcast_in_dim3A_239, %sub3A_241 : vector<256x1xf32>
    %mul3A_243 = arith.mulf %add3A_234, %slice3A_225 : vector<256x64xf32>
    %reduce_sum3A_244 = arith.constant dense<0.000000e+00> : vector<256xf32>
    %reduce_sum3A_245 = vector.multi_reduction <add>, %mul3A_243, %reduce_sum3A_244 [1] : vector<256x64xf32> to vector<256xf32>
    %broadcast_in_dim3A_246 = vector.shape_cast %reduce_sum3A_245 : vector<256xf32> to vector<256x1xf32>
    %sub3A_247 = arith.constant 1.000000e+00 : f32
    %sub3A_248 = vector.broadcast %sub3A_247 : f32 to vector<256x1xf32>
    %sub3A_249 = arith.subf %broadcast_in_dim3A_246, %sub3A_248 : vector<256x1xf32>
    %slice3A_250 = vector.extract_strided_slice %add3A_229 {offsets = [255, 0], sizes = [1, 64], strides = [1, 1]} : vector<256x64xf32> to vector<1x64xf32>
    %slice3A_251 = vector.extract_strided_slice %add3A_233 {offsets = [255, 0], sizes = [1, 64], strides = [1, 1]} : vector<256x64xf32> to vector<1x64xf32>
    %slice3A_252 = vector.extract_strided_slice %convert_element_type3A_45 {offsets = [1792, 0], sizes = [256, 64], strides = [1, 1]} : vector<2048x64xf32> to vector<256x64xf32>
    %slice3A_253 = vector.extract_strided_slice %convert_element_type3A_49 {offsets = [1792, 0], sizes = [256, 64], strides = [1, 1]} : vector<2048x64xf32> to vector<256x64xf32>
    %dot_general3A_254 = arith.constant dense<0.000000e+00> : vector<256x64xf32>
    %dot_general3A_255 = tpu.matmul %convert_element_type3A_53, %slice3A_252, %dot_general3A_254 {dimension_numbers = #tpu.dot_dimension_numbers<[1], [0], [0], [1], [0, 0, 1, 1], [], []>, transpose_lhs_hint = false} : vector<256x256xf32>, vector<256x64xf32>, vector<256x64xf32> -> vector<256x64xf32>
    %add3A_256 = vector.broadcast %slice3A_250 : vector<1x64xf32> to vector<256x64xf32>
    %add3A_257 = arith.addf %dot_general3A_255, %add3A_256 : vector<256x64xf32>
    %dot_general3A_258 = arith.constant dense<0.000000e+00> : vector<256x64xf32>
    %dot_general3A_259 = tpu.matmul %convert_element_type3A_53, %slice3A_253, %dot_general3A_258 {dimension_numbers = #tpu.dot_dimension_numbers<[1], [0], [0], [1], [0, 0, 1, 1], [], []>, transpose_lhs_hint = false} : vector<256x256xf32>, vector<256x64xf32>, vector<256x64xf32> -> vector<256x64xf32>
    %add3A_260 = vector.broadcast %slice3A_251 : vector<1x64xf32> to vector<256x64xf32>
    %add3A_261 = arith.addf %dot_general3A_259, %add3A_260 : vector<256x64xf32>
    %add3A_262 = arith.addf %add3A_257, %add3A_261 : vector<256x64xf32>
    %sub3A_263 = arith.subf %add3A_262, %slice3A_253 : vector<256x64xf32>
    %mul3A_264 = arith.mulf %sub3A_263, %slice3A_252 : vector<256x64xf32>
    %reduce_sum3A_265 = arith.constant dense<0.000000e+00> : vector<256xf32>
    %reduce_sum3A_266 = vector.multi_reduction <add>, %mul3A_264, %reduce_sum3A_265 [1] : vector<256x64xf32> to vector<256xf32>
    %broadcast_in_dim3A_267 = vector.shape_cast %reduce_sum3A_266 : vector<256xf32> to vector<256x1xf32>
    %sub3A_268 = arith.constant 1.000000e+00 : f32
    %sub3A_269 = vector.broadcast %sub3A_268 : f32 to vector<256x1xf32>
    %sub3A_270 = arith.subf %broadcast_in_dim3A_267, %sub3A_269 : vector<256x1xf32>
    %mul3A_271 = arith.mulf %add3A_262, %slice3A_253 : vector<256x64xf32>
    %reduce_sum3A_272 = arith.constant dense<0.000000e+00> : vector<256xf32>
    %reduce_sum3A_273 = vector.multi_reduction <add>, %mul3A_271, %reduce_sum3A_272 [1] : vector<256x64xf32> to vector<256xf32>
    %broadcast_in_dim3A_274 = vector.shape_cast %reduce_sum3A_273 : vector<256xf32> to vector<256x1xf32>
    %sub3A_275 = arith.constant 1.000000e+00 : f32
    %sub3A_276 = vector.broadcast %sub3A_275 : f32 to vector<256x1xf32>
    %sub3A_277 = arith.subf %broadcast_in_dim3A_274, %sub3A_276 : vector<256x1xf32>
    %concatenate3A = tpu.concatenate %sub3A_74, %sub3A_102, %sub3A_130, %sub3A_158, %sub3A_186, %sub3A_214, %sub3A_242, %sub3A_270 in 0 : vector<256x1xf32>, vector<256x1xf32>, vector<256x1xf32>, vector<256x1xf32>, vector<256x1xf32>, vector<256x1xf32>, vector<256x1xf32>, vector<256x1xf32> -> vector<2048x1xf32>
    %concatenate3A_278 = tpu.concatenate %sub3A_81, %sub3A_109, %sub3A_137, %sub3A_165, %sub3A_193, %sub3A_221, %sub3A_249, %sub3A_277 in 0 : vector<256x1xf32>, vector<256x1xf32>, vector<256x1xf32>, vector<256x1xf32>, vector<256x1xf32>, vector<256x1xf32>, vector<256x1xf32>, vector<256x1xf32> -> vector<2048x1xf32>
    %lt3A = arith.constant 8.000000e+01 : f32
    %lt3A_279 = vector.broadcast %lt3A : f32 to vector<2048x1xf32>
    %lt3A_280 = arith.cmpf olt, %concatenate3A, %lt3A_279 : vector<2048x1xf32>
    %convert_element_type3A_281 = arith.extui %lt3A_280 : vector<2048x1xi1> to vector<2048x1xi32>
    %convert_element_type3A_282 = arith.sitofp %convert_element_type3A_281 : vector<2048x1xi32> to vector<2048x1xf32>
    %lt3A_283 = arith.constant 8.000000e+01 : f32
    %lt3A_284 = vector.broadcast %lt3A_283 : f32 to vector<2048x1xf32>
    %lt3A_285 = arith.cmpf olt, %concatenate3A_278, %lt3A_284 : vector<2048x1xf32>
    %convert_element_type3A_286 = arith.extui %lt3A_285 : vector<2048x1xi1> to vector<2048x1xi32>
    %convert_element_type3A_287 = arith.sitofp %convert_element_type3A_286 : vector<2048x1xi32> to vector<2048x1xf32>
    %min3A = arith.constant 7.900000e+01 : f32
    %min3A_288 = vector.broadcast %min3A : f32 to vector<2048x1xf32>
    %min3A_289 = arith.minimumf %concatenate3A, %min3A_288 : vector<2048x1xf32>
    %min3A_290 = arith.constant 7.900000e+01 : f32
    %min3A_291 = vector.broadcast %min3A_290 : f32 to vector<2048x1xf32>
    %min3A_292 = arith.minimumf %concatenate3A_278, %min3A_291 : vector<2048x1xf32>
    %mul3A_293 = arith.constant 80 : i32
    %mul3A_294 = vector.broadcast %mul3A_293 : i32 to vector<2048x1xi32>
    %mul3A_295 = arith.muli %broadcast_in_dim3A_21, %mul3A_294 : vector<2048x1xi32>
    %convert_element_type3A_296 = arith.fptosi %min3A_289 : vector<2048x1xf32> to vector<2048x1xi32>
    %add3A_297 = arith.addi %mul3A_295, %convert_element_type3A_296 : vector<2048x1xi32>
    %swap3A = arith.constant 0 : index
    %swap3A_298 = arith.constant 0 : index
    %swap3A_299 = vector.load %arg3[%swap3A, %swap3A_298] : memref<2048x2xi32, #tpu.memory_space<vmem>>, vector<2048x1xi32>
    tpu.vector_store %arg3[%swap3A, %swap3A_298], %add3A_297 {strides = array<i32>} : memref<2048x2xi32, #tpu.memory_space<vmem>>, vector<2048x1xi32>,
    %mul3A_300 = arith.constant 80 : i32
    %mul3A_301 = vector.broadcast %mul3A_300 : i32 to vector<2048x1xi32>
    %mul3A_302 = arith.muli %broadcast_in_dim3A_38, %mul3A_301 : vector<2048x1xi32>
    %convert_element_type3A_303 = arith.fptosi %min3A_292 : vector<2048x1xf32> to vector<2048x1xi32>
    %add3A_304 = arith.addi %mul3A_302, %convert_element_type3A_303 : vector<2048x1xi32>
    %swap3A_305 = arith.constant 0 : index
    %swap3A_306 = arith.constant 1 : index
    %swap3A_307 = vector.load %arg3[%swap3A_305, %swap3A_306] : memref<2048x2xi32, #tpu.memory_space<vmem>>, vector<2048x1xi32>
    tpu.vector_store %arg3[%swap3A_305, %swap3A_306], %add3A_304 {strides = array<i32>} : memref<2048x2xi32, #tpu.memory_space<vmem>>, vector<2048x1xi32>,
    %mul3A_308 = arith.mulf %div3A_40, %convert_element_type3A_282 : vector<2048x1xf32>
    %swap3A_309 = arith.constant 0 : index
    %swap3A_310 = arith.constant 0 : index
    %swap3A_311 = vector.load %arg4[%swap3A_309, %swap3A_310] : memref<2048x2xf32, #tpu.memory_space<vmem>>, vector<2048x1xf32>
    tpu.vector_store %arg4[%swap3A_309, %swap3A_310], %mul3A_308 {strides = array<i32>} : memref<2048x2xf32, #tpu.memory_space<vmem>>, vector<2048x1xf32>,
    %mul3A_312 = arith.mulf %div3A_41, %convert_element_type3A_287 : vector<2048x1xf32>
    %swap3A_313 = arith.constant 0 : index
    %swap3A_314 = arith.constant 1 : index
    %swap3A_315 = vector.load %arg4[%swap3A_313, %swap3A_314] : memref<2048x2xf32, #tpu.memory_space<vmem>>, vector<2048x1xf32>
    tpu.vector_store %arg4[%swap3A_313, %swap3A_314], %mul3A_312 {strides = array<i32>} : memref<2048x2xf32, #tpu.memory_space<vmem>>, vector<2048x1xf32>,
    %iota3A_316 = tpu.iota {dimensions = array<i32: 1>} : vector<2048x80xi32>
    %convert_element_type3A_317 = arith.sitofp %iota3A_316 : vector<2048x80xi32> to vector<2048x80xf32>
    %iota3A_318 = tpu.iota {dimensions = array<i32: 0>} : vector<2048x1xi32>
    %convert_element_type3A_319 = arith.sitofp %iota3A_318 : vector<2048x1xi32> to vector<2048x1xf32>
    %div3A_320 = arith.constant 3.200000e+01 : f32
    %div3A_321 = vector.broadcast %div3A_320 : f32 to vector<2048x1xf32>
    %div3A_322 = arith.divf %convert_element_type3A_319, %div3A_321 : vector<2048x1xf32>
    %floor3A = math.floor %div3A_322 : vector<2048x1xf32>
    %mul3A_323 = arith.constant 3.200000e+01 : f32
    %mul3A_324 = vector.broadcast %mul3A_323 : f32 to vector<2048x1xf32>
    %mul3A_325 = arith.mulf %mul3A_324, %floor3A : vector<2048x1xf32>
    %sub3A_326 = arith.subf %convert_element_type3A_319, %mul3A_325 : vector<2048x1xf32>
    %broadcast_in_dim3A_327 = arith.constant 0.000000e+00 : f32
    %broadcast_in_dim3A_328 = vector.broadcast %broadcast_in_dim3A_327 : f32 to vector<64x80xf32>
    %eq3A_329 = vector.broadcast %min3A_289 : vector<2048x1xf32> to vector<2048x80xf32>
    %eq3A_330 = arith.cmpf oeq, %convert_element_type3A_317, %eq3A_329 : vector<2048x80xf32>
    %convert_element_type3A_331 = arith.extui %eq3A_330 : vector<2048x80xi1> to vector<2048x80xi32>
    %convert_element_type3A_332 = arith.sitofp %convert_element_type3A_331 : vector<2048x80xi32> to vector<2048x80xf32>
    %mul3A_333 = vector.broadcast %convert_element_type3A_282 : vector<2048x1xf32> to vector<2048x80xf32>
    %mul3A_334 = arith.mulf %convert_element_type3A_332, %mul3A_333 : vector<2048x80xf32>
    %mul3A_335 = vector.broadcast %floor3A : vector<2048x1xf32> to vector<2048x80xf32>
    %mul3A_336 = arith.mulf %mul3A_334, %mul3A_335 : vector<2048x80xf32>
    %dot_general3A_337 = arith.constant dense<0.000000e+00> : vector<64x80xf32>
    %dot_general3A_338 = tpu.matmul %convert_element_type3A_45, %mul3A_336, %dot_general3A_337 {dimension_numbers = #tpu.dot_dimension_numbers<[0], [0], [1], [1], [0, 1, 1, 1], [], []>, transpose_lhs_hint = false} : vector<2048x64xf32>, vector<2048x80xf32>, vector<64x80xf32> -> vector<64x80xf32>
    %mul3A_339 = arith.constant 3.200000e+01 : f32
    %mul3A_340 = vector.broadcast %mul3A_339 : f32 to vector<64x80xf32>
    %mul3A_341 = arith.mulf %mul3A_340, %dot_general3A_338 : vector<64x80xf32>
    %add3A_342 = arith.addf %broadcast_in_dim3A_328, %mul3A_341 : vector<64x80xf32>
    %mul3A_343 = vector.broadcast %sub3A_326 : vector<2048x1xf32> to vector<2048x80xf32>
    %mul3A_344 = arith.mulf %mul3A_334, %mul3A_343 : vector<2048x80xf32>
    %dot_general3A_345 = arith.constant dense<0.000000e+00> : vector<64x80xf32>
    %dot_general3A_346 = tpu.matmul %convert_element_type3A_45, %mul3A_344, %dot_general3A_345 {dimension_numbers = #tpu.dot_dimension_numbers<[0], [0], [1], [1], [0, 1, 1, 1], [], []>, transpose_lhs_hint = false} : vector<2048x64xf32>, vector<2048x80xf32>, vector<64x80xf32> -> vector<64x80xf32>
    %add3A_347 = arith.addf %add3A_342, %dot_general3A_346 : vector<64x80xf32>
    %eq3A_348 = vector.broadcast %min3A_292 : vector<2048x1xf32> to vector<2048x80xf32>
    %eq3A_349 = arith.cmpf oeq, %convert_element_type3A_317, %eq3A_348 : vector<2048x80xf32>
    %convert_element_type3A_350 = arith.extui %eq3A_349 : vector<2048x80xi1> to vector<2048x80xi32>
    %convert_element_type3A_351 = arith.sitofp %convert_element_type3A_350 : vector<2048x80xi32> to vector<2048x80xf32>
    %mul3A_352 = vector.broadcast %convert_element_type3A_287 : vector<2048x1xf32> to vector<2048x80xf32>
    %mul3A_353 = arith.mulf %convert_element_type3A_351, %mul3A_352 : vector<2048x80xf32>
    %mul3A_354 = vector.broadcast %floor3A : vector<2048x1xf32> to vector<2048x80xf32>
    %mul3A_355 = arith.mulf %mul3A_353, %mul3A_354 : vector<2048x80xf32>
    %dot_general3A_356 = arith.constant dense<0.000000e+00> : vector<64x80xf32>
    %dot_general3A_357 = tpu.matmul %convert_element_type3A_49, %mul3A_355, %dot_general3A_356 {dimension_numbers = #tpu.dot_dimension_numbers<[0], [0], [1], [1], [0, 1, 1, 1], [], []>, transpose_lhs_hint = false} : vector<2048x64xf32>, vector<2048x80xf32>, vector<64x80xf32> -> vector<64x80xf32>
    %mul3A_358 = arith.constant 3.200000e+01 : f32
    %mul3A_359 = vector.broadcast %mul3A_358 : f32 to vector<64x80xf32>
    %mul3A_360 = arith.mulf %mul3A_359, %dot_general3A_357 : vector<64x80xf32>
    %add3A_361 = arith.addf %add3A_347, %mul3A_360 : vector<64x80xf32>
    %mul3A_362 = vector.broadcast %sub3A_326 : vector<2048x1xf32> to vector<2048x80xf32>
    %mul3A_363 = arith.mulf %mul3A_353, %mul3A_362 : vector<2048x80xf32>
    %dot_general3A_364 = arith.constant dense<0.000000e+00> : vector<64x80xf32>
    %dot_general3A_365 = tpu.matmul %convert_element_type3A_49, %mul3A_363, %dot_general3A_364 {dimension_numbers = #tpu.dot_dimension_numbers<[0], [0], [1], [1], [0, 1, 1, 1], [], []>, transpose_lhs_hint = false} : vector<2048x64xf32>, vector<2048x80xf32>, vector<64x80xf32> -> vector<64x80xf32>
    %add3A_366 = arith.addf %add3A_361, %dot_general3A_365 : vector<64x80xf32>
    %convert_element_type3A_367 = arith.fptosi %add3A_366 : vector<64x80xf32> to vector<64x80xi32>
    %swap3A_368 = arith.constant 0 : index
    %swap3A_369 = arith.constant 0 : index
    %swap3A_370 = vector.load %arg5[%swap3A_368, %swap3A_369] : memref<64x80xi32, #tpu.memory_space<vmem>>, vector<64x80xi32>
    tpu.vector_store %arg5[%swap3A_368, %swap3A_369], %convert_element_type3A_367 {strides = array<i32>} : memref<64x80xi32, #tpu.memory_space<vmem>>, vector<64x80xi32>,
    return
  }
}

module attributes {stable_mosaic.version = 14 : i64} {
  func.func @_ffn_body(%arg0: i32, %arg1: memref<5120xi32, #tpu.memory_space<smem>>, %arg2: memref<2048x1024xf32, #tpu.memory_space<vmem>>, %arg3: memref<1x1024x1024xf32, #tpu.memory_space<vmem>>, %arg4: memref<1x1x1024xf32, #tpu.memory_space<vmem>>, %arg5: memref<1x1024x1024xf32, #tpu.memory_space<vmem>>, %arg6: memref<1x1x1024xf32, #tpu.memory_space<vmem>>, %arg7: memref<80x1024xf32, #tpu.memory_space<vmem>>, %arg8: memref<80x1024xf32, #tpu.memory_space<vmem>>) attributes {dimension_semantics = [#tpu.dimension_semantics<arbitrary>], iteration_bounds = array<i64: 64>, scalar_prefetch = 1 : i64, scratch_operands = 1 : i64, tpu.core_type = #tpu.core_type<tc>, window_params = [{pipeline_mode = #tpu.pipeline_mode<synchronous>, transform_indices = @transform_0, window_bounds = array<i64: 2048, 1024>}, {transform_indices = @transform_1, window_bounds = array<i64: 1, 1024, 1024>}, {transform_indices = @transform_2, window_bounds = array<i64: 1, 1, 1024>}, {transform_indices = @transform_3, window_bounds = array<i64: 1, 1024, 1024>}, {transform_indices = @transform_4, window_bounds = array<i64: 1, 1, 1024>}, {transform_indices = @transform_5, window_bounds = array<i64: 80, 1024>}]} {
    %scan3A = arith.constant 0 : i32
    %scan3A_0 = arith.constant 80 : i32
    %scan3A_1 = arith.addi %scan3A, %scan3A_0 : i32
    %scan3A_2 = arith.constant 8 : i32
    scf.for %scan3A_39 = %scan3A to %scan3A_1 step %scan3A_2  : i32 {
      %mul3A = arith.constant 80 : i32
      %mul3A_40 = arith.muli %arg0, %mul3A : i32
      %add3A_41 = arith.addi %mul3A_40, %scan3A_39 : i32
      %get3A_42 = arith.index_cast %add3A_41 : i32 to index
      %get3A_43 = memref.load %arg1[%get3A_42] : memref<5120xi32, #tpu.memory_space<smem>>
      %get3A_44 = arith.index_cast %get3A_43 : i32 to index
      %get3A_45 = arith.constant 0 : index
      %get3A_46 = vector.load %arg2[%get3A_44, %get3A_45] : memref<2048x1024xf32, #tpu.memory_space<vmem>>, vector<1x1024xf32>
      %swap3A_47 = arith.index_cast %scan3A_39 : i32 to index
      %swap3A_48 = arith.constant 0 : index
      %swap3A_49 = vector.load %arg8[%swap3A_47, %swap3A_48] : memref<80x1024xf32, #tpu.memory_space<vmem>>, vector<1x1024xf32>
      tpu.vector_store %arg8[%swap3A_47, %swap3A_48], %get3A_46 {strides = array<i32>} : memref<80x1024xf32, #tpu.memory_space<vmem>>, vector<1x1024xf32>,
      %scan3A_50 = arith.constant 1 : i32
      %scan3A_51 = arith.addi %scan3A_39, %scan3A_50 : i32
      %mul3A_52 = arith.constant 80 : i32
      %mul3A_53 = arith.muli %arg0, %mul3A_52 : i32
      %add3A_54 = arith.addi %mul3A_53, %scan3A_51 : i32
      %get3A_55 = arith.index_cast %add3A_54 : i32 to index
      %get3A_56 = memref.load %arg1[%get3A_55] : memref<5120xi32, #tpu.memory_space<smem>>
      %get3A_57 = arith.index_cast %get3A_56 : i32 to index
      %get3A_58 = arith.constant 0 : index
      %get3A_59 = vector.load %arg2[%get3A_57, %get3A_58] : memref<2048x1024xf32, #tpu.memory_space<vmem>>, vector<1x1024xf32>
      %swap3A_60 = arith.index_cast %scan3A_51 : i32 to index
      %swap3A_61 = arith.constant 0 : index
      %swap3A_62 = vector.load %arg8[%swap3A_60, %swap3A_61] : memref<80x1024xf32, #tpu.memory_space<vmem>>, vector<1x1024xf32>
      tpu.vector_store %arg8[%swap3A_60, %swap3A_61], %get3A_59 {strides = array<i32>} : memref<80x1024xf32, #tpu.memory_space<vmem>>, vector<1x1024xf32>,
      %scan3A_63 = arith.constant 2 : i32
      %scan3A_64 = arith.addi %scan3A_39, %scan3A_63 : i32
      %mul3A_65 = arith.constant 80 : i32
      %mul3A_66 = arith.muli %arg0, %mul3A_65 : i32
      %add3A_67 = arith.addi %mul3A_66, %scan3A_64 : i32
      %get3A_68 = arith.index_cast %add3A_67 : i32 to index
      %get3A_69 = memref.load %arg1[%get3A_68] : memref<5120xi32, #tpu.memory_space<smem>>
      %get3A_70 = arith.index_cast %get3A_69 : i32 to index
      %get3A_71 = arith.constant 0 : index
      %get3A_72 = vector.load %arg2[%get3A_70, %get3A_71] : memref<2048x1024xf32, #tpu.memory_space<vmem>>, vector<1x1024xf32>
      %swap3A_73 = arith.index_cast %scan3A_64 : i32 to index
      %swap3A_74 = arith.constant 0 : index
      %swap3A_75 = vector.load %arg8[%swap3A_73, %swap3A_74] : memref<80x1024xf32, #tpu.memory_space<vmem>>, vector<1x1024xf32>
      tpu.vector_store %arg8[%swap3A_73, %swap3A_74], %get3A_72 {strides = array<i32>} : memref<80x1024xf32, #tpu.memory_space<vmem>>, vector<1x1024xf32>,
      %scan3A_76 = arith.constant 3 : i32
      %scan3A_77 = arith.addi %scan3A_39, %scan3A_76 : i32
      %mul3A_78 = arith.constant 80 : i32
      %mul3A_79 = arith.muli %arg0, %mul3A_78 : i32
      %add3A_80 = arith.addi %mul3A_79, %scan3A_77 : i32
      %get3A_81 = arith.index_cast %add3A_80 : i32 to index
      %get3A_82 = memref.load %arg1[%get3A_81] : memref<5120xi32, #tpu.memory_space<smem>>
      %get3A_83 = arith.index_cast %get3A_82 : i32 to index
      %get3A_84 = arith.constant 0 : index
      %get3A_85 = vector.load %arg2[%get3A_83, %get3A_84] : memref<2048x1024xf32, #tpu.memory_space<vmem>>, vector<1x1024xf32>
      %swap3A_86 = arith.index_cast %scan3A_77 : i32 to index
      %swap3A_87 = arith.constant 0 : index
      %swap3A_88 = vector.load %arg8[%swap3A_86, %swap3A_87] : memref<80x1024xf32, #tpu.memory_space<vmem>>, vector<1x1024xf32>
      tpu.vector_store %arg8[%swap3A_86, %swap3A_87], %get3A_85 {strides = array<i32>} : memref<80x1024xf32, #tpu.memory_space<vmem>>, vector<1x1024xf32>,
      %scan3A_89 = arith.constant 4 : i32
      %scan3A_90 = arith.addi %scan3A_39, %scan3A_89 : i32
      %mul3A_91 = arith.constant 80 : i32
      %mul3A_92 = arith.muli %arg0, %mul3A_91 : i32
      %add3A_93 = arith.addi %mul3A_92, %scan3A_90 : i32
      %get3A_94 = arith.index_cast %add3A_93 : i32 to index
      %get3A_95 = memref.load %arg1[%get3A_94] : memref<5120xi32, #tpu.memory_space<smem>>
      %get3A_96 = arith.index_cast %get3A_95 : i32 to index
      %get3A_97 = arith.constant 0 : index
      %get3A_98 = vector.load %arg2[%get3A_96, %get3A_97] : memref<2048x1024xf32, #tpu.memory_space<vmem>>, vector<1x1024xf32>
      %swap3A_99 = arith.index_cast %scan3A_90 : i32 to index
      %swap3A_100 = arith.constant 0 : index
      %swap3A_101 = vector.load %arg8[%swap3A_99, %swap3A_100] : memref<80x1024xf32, #tpu.memory_space<vmem>>, vector<1x1024xf32>
      tpu.vector_store %arg8[%swap3A_99, %swap3A_100], %get3A_98 {strides = array<i32>} : memref<80x1024xf32, #tpu.memory_space<vmem>>, vector<1x1024xf32>,
      %scan3A_102 = arith.constant 5 : i32
      %scan3A_103 = arith.addi %scan3A_39, %scan3A_102 : i32
      %mul3A_104 = arith.constant 80 : i32
      %mul3A_105 = arith.muli %arg0, %mul3A_104 : i32
      %add3A_106 = arith.addi %mul3A_105, %scan3A_103 : i32
      %get3A_107 = arith.index_cast %add3A_106 : i32 to index
      %get3A_108 = memref.load %arg1[%get3A_107] : memref<5120xi32, #tpu.memory_space<smem>>
      %get3A_109 = arith.index_cast %get3A_108 : i32 to index
      %get3A_110 = arith.constant 0 : index
      %get3A_111 = vector.load %arg2[%get3A_109, %get3A_110] : memref<2048x1024xf32, #tpu.memory_space<vmem>>, vector<1x1024xf32>
      %swap3A_112 = arith.index_cast %scan3A_103 : i32 to index
      %swap3A_113 = arith.constant 0 : index
      %swap3A_114 = vector.load %arg8[%swap3A_112, %swap3A_113] : memref<80x1024xf32, #tpu.memory_space<vmem>>, vector<1x1024xf32>
      tpu.vector_store %arg8[%swap3A_112, %swap3A_113], %get3A_111 {strides = array<i32>} : memref<80x1024xf32, #tpu.memory_space<vmem>>, vector<1x1024xf32>,
      %scan3A_115 = arith.constant 6 : i32
      %scan3A_116 = arith.addi %scan3A_39, %scan3A_115 : i32
      %mul3A_117 = arith.constant 80 : i32
      %mul3A_118 = arith.muli %arg0, %mul3A_117 : i32
      %add3A_119 = arith.addi %mul3A_118, %scan3A_116 : i32
      %get3A_120 = arith.index_cast %add3A_119 : i32 to index
      %get3A_121 = memref.load %arg1[%get3A_120] : memref<5120xi32, #tpu.memory_space<smem>>
      %get3A_122 = arith.index_cast %get3A_121 : i32 to index
      %get3A_123 = arith.constant 0 : index
      %get3A_124 = vector.load %arg2[%get3A_122, %get3A_123] : memref<2048x1024xf32, #tpu.memory_space<vmem>>, vector<1x1024xf32>
      %swap3A_125 = arith.index_cast %scan3A_116 : i32 to index
      %swap3A_126 = arith.constant 0 : index
      %swap3A_127 = vector.load %arg8[%swap3A_125, %swap3A_126] : memref<80x1024xf32, #tpu.memory_space<vmem>>, vector<1x1024xf32>
      tpu.vector_store %arg8[%swap3A_125, %swap3A_126], %get3A_124 {strides = array<i32>} : memref<80x1024xf32, #tpu.memory_space<vmem>>, vector<1x1024xf32>,
      %scan3A_128 = arith.constant 7 : i32
      %scan3A_129 = arith.addi %scan3A_39, %scan3A_128 : i32
      %mul3A_130 = arith.constant 80 : i32
      %mul3A_131 = arith.muli %arg0, %mul3A_130 : i32
      %add3A_132 = arith.addi %mul3A_131, %scan3A_129 : i32
      %get3A_133 = arith.index_cast %add3A_132 : i32 to index
      %get3A_134 = memref.load %arg1[%get3A_133] : memref<5120xi32, #tpu.memory_space<smem>>
      %get3A_135 = arith.index_cast %get3A_134 : i32 to index
      %get3A_136 = arith.constant 0 : index
      %get3A_137 = vector.load %arg2[%get3A_135, %get3A_136] : memref<2048x1024xf32, #tpu.memory_space<vmem>>, vector<1x1024xf32>
      %swap3A_138 = arith.index_cast %scan3A_129 : i32 to index
      %swap3A_139 = arith.constant 0 : index
      %swap3A_140 = vector.load %arg8[%swap3A_138, %swap3A_139] : memref<80x1024xf32, #tpu.memory_space<vmem>>, vector<1x1024xf32>
      tpu.vector_store %arg8[%swap3A_138, %swap3A_139], %get3A_137 {strides = array<i32>} : memref<80x1024xf32, #tpu.memory_space<vmem>>, vector<1x1024xf32>,
    }
    %scan3A_3 = arith.constant 80 : i32
    %get3A = arith.constant 0 : index
    %get3A_4 = arith.constant 0 : index
    %get3A_5 = vector.load %arg8[%get3A, %get3A_4] : memref<80x1024xf32, #tpu.memory_space<vmem>>, vector<80x1024xf32>
    %convert_element_type3A = arith.truncf %get3A_5 : vector<80x1024xf32> to vector<80x1024xbf16>
    %get3A_6 = arith.constant 0 : index
    %get3A_7 = arith.constant 0 : index
    %get3A_8 = arith.constant 0 : index
    %get3A_9 = vector.load %arg3[%get3A_6, %get3A_7, %get3A_8] : memref<1x1024x1024xf32, #tpu.memory_space<vmem>>, vector<1x1024x1024xf32>
    %get3A_10 = vector.shape_cast %get3A_9 : vector<1x1024x1024xf32> to vector<1024x1024xf32>
    %convert_element_type3A_11 = arith.truncf %get3A_10 : vector<1024x1024xf32> to vector<1024x1024xbf16>
    %dot_general3A = arith.constant dense<0.000000e+00> : vector<80x1024xf32>
    %dot_general3A_12 = tpu.matmul %convert_element_type3A, %convert_element_type3A_11, %dot_general3A {dimension_numbers = #tpu.dot_dimension_numbers<[1], [0], [0], [1], [0, 0, 1, 1], [], []>, transpose_lhs_hint = false} : vector<80x1024xbf16>, vector<1024x1024xbf16>, vector<80x1024xf32> -> vector<80x1024xf32>
    %get3A_13 = arith.constant 0 : index
    %get3A_14 = arith.constant 0 : index
    %get3A_15 = arith.constant 0 : index
    %get3A_16 = vector.load %arg4[%get3A_13, %get3A_14, %get3A_15] : memref<1x1x1024xf32, #tpu.memory_space<vmem>>, vector<1x1x1024xf32>
    %get3A_17 = vector.shape_cast %get3A_16 : vector<1x1x1024xf32> to vector<1x1024xf32>
    %add3A = vector.broadcast %get3A_17 : vector<1x1024xf32> to vector<80x1024xf32>
    %add3A_18 = arith.addf %dot_general3A_12, %add3A : vector<80x1024xf32>
    %max3A = arith.constant 0.000000e+00 : f32
    %max3A_19 = vector.broadcast %max3A : f32 to vector<80x1024xf32>
    %max3A_20 = arith.maximumf %add3A_18, %max3A_19 : vector<80x1024xf32>
    %get3A_21 = arith.constant 0 : index
    %get3A_22 = arith.constant 0 : index
    %get3A_23 = arith.constant 0 : index
    %get3A_24 = vector.load %arg5[%get3A_21, %get3A_22, %get3A_23] : memref<1x1024x1024xf32, #tpu.memory_space<vmem>>, vector<1x1024x1024xf32>
    %get3A_25 = vector.shape_cast %get3A_24 : vector<1x1024x1024xf32> to vector<1024x1024xf32>
    %convert_element_type3A_26 = arith.truncf %get3A_25 : vector<1024x1024xf32> to vector<1024x1024xbf16>
    %convert_element_type3A_27 = arith.truncf %max3A_20 : vector<80x1024xf32> to vector<80x1024xbf16>
    %dot_general3A_28 = arith.constant dense<0.000000e+00> : vector<80x1024xf32>
    %dot_general3A_29 = tpu.matmul %convert_element_type3A_27, %convert_element_type3A_26, %dot_general3A_28 {dimension_numbers = #tpu.dot_dimension_numbers<[1], [0], [0], [1], [0, 0, 1, 1], [], []>, transpose_lhs_hint = false} : vector<80x1024xbf16>, vector<1024x1024xbf16>, vector<80x1024xf32> -> vector<80x1024xf32>
    %get3A_30 = arith.constant 0 : index
    %get3A_31 = arith.constant 0 : index
    %get3A_32 = arith.constant 0 : index
    %get3A_33 = vector.load %arg6[%get3A_30, %get3A_31, %get3A_32] : memref<1x1x1024xf32, #tpu.memory_space<vmem>>, vector<1x1x1024xf32>
    %get3A_34 = vector.shape_cast %get3A_33 : vector<1x1x1024xf32> to vector<1x1024xf32>
    %add3A_35 = vector.broadcast %get3A_34 : vector<1x1024xf32> to vector<80x1024xf32>
    %add3A_36 = arith.addf %dot_general3A_29, %add3A_35 : vector<80x1024xf32>
    %swap3A = arith.constant 0 : index
    %swap3A_37 = arith.constant 0 : index
    %swap3A_38 = vector.load %arg7[%swap3A, %swap3A_37] : memref<80x1024xf32, #tpu.memory_space<vmem>>, vector<80x1024xf32>
    tpu.vector_store %arg7[%swap3A, %swap3A_37], %add3A_36 {strides = array<i32>} : memref<80x1024xf32, #tpu.memory_space<vmem>>, vector<80x1024xf32>,
    return
  }
  func.func @transform_0(%arg0: i32, %arg1: memref<5120xi32, #tpu.memory_space<smem>>) -> (i32, i32) {
    %c0_i32 = arith.constant 0 : i32
    %c0_i32_0 = arith.constant 0 : i32
    %c0_i32_1 = arith.constant 0 : i32
    return %c0_i32, %c0_i32_0 : i32, i32
  }
  func.func @transform_1(%arg0: i32, %arg1: memref<5120xi32, #tpu.memory_space<smem>>) -> (i32, i32, i32) {
    %c0_i32 = arith.constant 0 : i32
    %c0_i32_0 = arith.constant 0 : i32
    %c0_i32_1 = arith.constant 0 : i32
    return %arg0, %c0_i32, %c0_i32_0 : i32, i32, i32
  }
  func.func @transform_2(%arg0: i32, %arg1: memref<5120xi32, #tpu.memory_space<smem>>) -> (i32, i32, i32) {
    %c0_i32 = arith.constant 0 : i32
    %c0_i32_0 = arith.constant 0 : i32
    %c0_i32_1 = arith.constant 0 : i32
    return %arg0, %c0_i32, %c0_i32_0 : i32, i32, i32
  }
  func.func @transform_3(%arg0: i32, %arg1: memref<5120xi32, #tpu.memory_space<smem>>) -> (i32, i32, i32) {
    %c0_i32 = arith.constant 0 : i32
    %c0_i32_0 = arith.constant 0 : i32
    %c0_i32_1 = arith.constant 0 : i32
    return %arg0, %c0_i32, %c0_i32_0 : i32, i32, i32
  }
  func.func @transform_4(%arg0: i32, %arg1: memref<5120xi32, #tpu.memory_space<smem>>) -> (i32, i32, i32) {
    %c0_i32 = arith.constant 0 : i32
    %c0_i32_0 = arith.constant 0 : i32
    %c0_i32_1 = arith.constant 0 : i32
    return %arg0, %c0_i32, %c0_i32_0 : i32, i32, i32
  }
  func.func @transform_5(%arg0: i32, %arg1: memref<5120xi32, #tpu.memory_space<smem>>) -> (i32, i32) {
    %c0_i32 = arith.constant 0 : i32
    %c0_i32_0 = arith.constant 0 : i32
    return %arg0, %c0_i32 : i32, i32
  }
}

module attributes {stable_mosaic.version = 14 : i64} {
  func.func @_comb_body(%arg0: i32, %arg1: memref<256x1024xf32, #tpu.memory_space<vmem>>, %arg2: memref<256x1024xf32, #tpu.memory_space<vmem>>, %arg3: memref<256x2xf32, #tpu.memory_space<vmem>>, %arg4: memref<256x1024xf32, #tpu.memory_space<vmem>>, %arg5: memref<1x1024xf32, #tpu.memory_space<vmem>>, %arg6: memref<1x1024xf32, #tpu.memory_space<vmem>>, %arg7: memref<1x256x1024xf32, #tpu.memory_space<vmem>>, %arg8: memref<256x1024xbf16, #tpu.memory_space<vmem>>) attributes {dimension_semantics = [#tpu.dimension_semantics<arbitrary>], iteration_bounds = array<i64: 8>, scalar_prefetch = 0 : i64, scratch_operands = 0 : i64, tpu.core_type = #tpu.core_type<tc>, window_params = [{transform_indices = @transform_0, window_bounds = array<i64: 256, 1024>}, {transform_indices = @transform_1, window_bounds = array<i64: 256, 1024>}, {transform_indices = @transform_2, window_bounds = array<i64: 256, 2>}, {transform_indices = @transform_3, window_bounds = array<i64: 256, 1024>}, {pipeline_mode = #tpu.pipeline_mode<synchronous>, transform_indices = @transform_4, window_bounds = array<i64: 1, 1024>}, {pipeline_mode = #tpu.pipeline_mode<synchronous>, transform_indices = @transform_5, window_bounds = array<i64: 1, 1024>}, {transform_indices = @transform_6, window_bounds = array<i64: 1, 256, 1024>}, {transform_indices = @transform_7, window_bounds = array<i64: 256, 1024>}]} {
    %get3A = arith.constant 0 : index
    %get3A_0 = arith.constant 0 : index
    %get3A_1 = vector.load %arg3[%get3A, %get3A_0] : memref<256x2xf32, #tpu.memory_space<vmem>>, vector<256x2xf32>
    %get3A_2 = arith.constant 0 : index
    %get3A_3 = arith.constant 0 : index
    %get3A_4 = vector.load %arg1[%get3A_2, %get3A_3] : memref<256x1024xf32, #tpu.memory_space<vmem>>, vector<256x1024xf32>
    %slice3A = vector.extract_strided_slice %get3A_1 {offsets = [0, 0], sizes = [256, 1], strides = [1, 1]} : vector<256x2xf32> to vector<256x1xf32>
    %mul3A = vector.broadcast %slice3A : vector<256x1xf32> to vector<256x1024xf32>
    %mul3A_5 = arith.mulf %get3A_4, %mul3A : vector<256x1024xf32>
    %get3A_6 = arith.constant 0 : index
    %get3A_7 = arith.constant 0 : index
    %get3A_8 = vector.load %arg2[%get3A_6, %get3A_7] : memref<256x1024xf32, #tpu.memory_space<vmem>>, vector<256x1024xf32>
    %slice3A_9 = vector.extract_strided_slice %get3A_1 {offsets = [0, 1], sizes = [256, 1], strides = [1, 1]} : vector<256x2xf32> to vector<256x1xf32>
    %mul3A_10 = vector.broadcast %slice3A_9 : vector<256x1xf32> to vector<256x1024xf32>
    %mul3A_11 = arith.mulf %get3A_8, %mul3A_10 : vector<256x1024xf32>
    %add3A = arith.addf %mul3A_5, %mul3A_11 : vector<256x1024xf32>
    %get3A_12 = arith.constant 0 : index
    %get3A_13 = arith.constant 0 : index
    %get3A_14 = vector.load %arg4[%get3A_12, %get3A_13] : memref<256x1024xf32, #tpu.memory_space<vmem>>, vector<256x1024xf32>
    %add3A_15 = arith.addf %get3A_14, %add3A : vector<256x1024xf32>
    %reduce_sum3A = arith.constant dense<0.000000e+00> : vector<256xf32>
    %reduce_sum3A_16 = vector.multi_reduction <add>, %add3A_15, %reduce_sum3A [1] : vector<256x1024xf32> to vector<256xf32>
    %broadcast_in_dim3A = vector.shape_cast %reduce_sum3A_16 : vector<256xf32> to vector<256x1xf32>
    %div3A = arith.constant 1.024000e+03 : f32
    %div3A_17 = vector.broadcast %div3A : f32 to vector<256x1xf32>
    %div3A_18 = arith.divf %broadcast_in_dim3A, %div3A_17 : vector<256x1xf32>
    %sub3A = vector.broadcast %div3A_18 : vector<256x1xf32> to vector<256x1024xf32>
    %sub3A_19 = arith.subf %add3A_15, %sub3A : vector<256x1024xf32>
    %integer_pow3A = arith.mulf %sub3A_19, %sub3A_19 : vector<256x1024xf32>
    %reduce_sum3A_20 = arith.constant dense<0.000000e+00> : vector<256xf32>
    %reduce_sum3A_21 = vector.multi_reduction <add>, %integer_pow3A, %reduce_sum3A_20 [1] : vector<256x1024xf32> to vector<256xf32>
    %broadcast_in_dim3A_22 = vector.shape_cast %reduce_sum3A_21 : vector<256xf32> to vector<256x1xf32>
    %div3A_23 = arith.constant 1.024000e+03 : f32
    %div3A_24 = vector.broadcast %div3A_23 : f32 to vector<256x1xf32>
    %div3A_25 = arith.divf %broadcast_in_dim3A_22, %div3A_24 : vector<256x1xf32>
    %sub3A_26 = vector.broadcast %div3A_18 : vector<256x1xf32> to vector<256x1024xf32>
    %sub3A_27 = arith.subf %add3A_15, %sub3A_26 : vector<256x1024xf32>
    %add3A_28 = arith.constant 9.99999974E-6 : f32
    %add3A_29 = vector.broadcast %add3A_28 : f32 to vector<256x1xf32>
    %add3A_30 = arith.addf %div3A_25, %add3A_29 : vector<256x1xf32>
    %sqrt3A = math.sqrt %add3A_30 : vector<256x1xf32>
    %div3A_31 = vector.broadcast %sqrt3A : vector<256x1xf32> to vector<256x1024xf32>
    %div3A_32 = arith.divf %sub3A_27, %div3A_31 : vector<256x1024xf32>
    %get3A_33 = arith.constant 0 : index
    %get3A_34 = arith.constant 0 : index
    %get3A_35 = vector.load %arg5[%get3A_33, %get3A_34] : memref<1x1024xf32, #tpu.memory_space<vmem>>, vector<1x1024xf32>
    %mul3A_36 = vector.broadcast %get3A_35 : vector<1x1024xf32> to vector<256x1024xf32>
    %mul3A_37 = arith.mulf %div3A_32, %mul3A_36 : vector<256x1024xf32>
    %get3A_38 = arith.constant 0 : index
    %get3A_39 = arith.constant 0 : index
    %get3A_40 = vector.load %arg6[%get3A_38, %get3A_39] : memref<1x1024xf32, #tpu.memory_space<vmem>>, vector<1x1024xf32>
    %add3A_41 = vector.broadcast %get3A_40 : vector<1x1024xf32> to vector<256x1024xf32>
    %add3A_42 = arith.addf %mul3A_37, %add3A_41 : vector<256x1024xf32>
    %swap3A = arith.constant 0 : index
    %swap3A_43 = arith.constant 0 : index
    %swap3A_44 = arith.constant 0 : index
    %swap3A_45 = vector.load %arg7[%swap3A, %swap3A_43, %swap3A_44] : memref<1x256x1024xf32, #tpu.memory_space<vmem>>, vector<1x256x1024xf32>
    %swap3A_46 = vector.shape_cast %swap3A_45 : vector<1x256x1024xf32> to vector<256x1024xf32>
    %swap3A_47 = vector.shape_cast %add3A_42 : vector<256x1024xf32> to vector<1x256x1024xf32>
    tpu.vector_store %arg7[%swap3A, %swap3A_43, %swap3A_44], %swap3A_47 {strides = array<i32>} : memref<1x256x1024xf32, #tpu.memory_space<vmem>>, vector<1x256x1024xf32>,
    %convert_element_type3A = arith.truncf %add3A_42 : vector<256x1024xf32> to vector<256x1024xbf16>
    %swap3A_48 = arith.constant 0 : index
    %swap3A_49 = arith.constant 0 : index
    %swap3A_50 = vector.load %arg8[%swap3A_48, %swap3A_49] : memref<256x1024xbf16, #tpu.memory_space<vmem>>, vector<256x1024xbf16>
    tpu.vector_store %arg8[%swap3A_48, %swap3A_49], %convert_element_type3A {strides = array<i32>} : memref<256x1024xbf16, #tpu.memory_space<vmem>>, vector<256x1024xbf16>,
    return
  }
  func.func @transform_0(%arg0: i32) -> (i32, i32) {
    %c0_i32 = arith.constant 0 : i32
    %c0_i32_0 = arith.constant 0 : i32
    return %arg0, %c0_i32 : i32, i32
  }
  func.func @transform_1(%arg0: i32) -> (i32, i32) {
    %add3A = arith.constant 8 : i32
    %add3A_0 = arith.addi %add3A, %arg0 : i32
    %c0_i32 = arith.constant 0 : i32
    %c0_i32_1 = arith.constant 0 : i32
    return %add3A_0, %c0_i32 : i32, i32
  }
  func.func @transform_2(%arg0: i32) -> (i32, i32) {
    %c0_i32 = arith.constant 0 : i32
    %c0_i32_0 = arith.constant 0 : i32
    return %arg0, %c0_i32 : i32, i32
  }
  func.func @transform_3(%arg0: i32) -> (i32, i32) {
    %c0_i32 = arith.constant 0 : i32
    %c0_i32_0 = arith.constant 0 : i32
    return %arg0, %c0_i32 : i32, i32
  }
  func.func @transform_4(%arg0: i32) -> (i32, i32) {
    %c0_i32 = arith.constant 0 : i32
    %c0_i32_0 = arith.constant 0 : i32
    %c0_i32_1 = arith.constant 0 : i32
    return %c0_i32, %c0_i32_0 : i32, i32
  }
  func.func @transform_5(%arg0: i32) -> (i32, i32) {
    %c0_i32 = arith.constant 0 : i32
    %c0_i32_0 = arith.constant 0 : i32
    %c0_i32_1 = arith.constant 0 : i32
    return %c0_i32, %c0_i32_0 : i32, i32
  }
  func.func @transform_6(%arg0: i32) -> (i32, i32, i32) {
    %c0_i32 = arith.constant 0 : i32
    %c0_i32_0 = arith.constant 0 : i32
    %c0_i32_1 = arith.constant 0 : i32
    return %c0_i32, %arg0, %c0_i32_0 : i32, i32, i32
  }
  func.func @transform_7(%arg0: i32) -> (i32, i32) {
    %c0_i32 = arith.constant 0 : i32
    %c0_i32_0 = arith.constant 0 : i32
    return %arg0, %c0_i32 : i32, i32
  }
}

module attributes {stable_mosaic.version = 14 : i64} {
  func.func @_aux_body(%arg0: memref<2048x1024xbf16, #tpu.memory_space<vmem>>, %arg1: memref<1024x64xf32, #tpu.memory_space<vmem>>, %arg2: memref<1x64xf32, #tpu.memory_space<vmem>>, %arg3: memref<1x1xf32, #tpu.memory_space<vmem>>) attributes {dimension_semantics = [], scalar_prefetch = 0 : i64, scratch_operands = 0 : i64, tpu.core_type = #tpu.core_type<tc>} {
    %get3A = arith.constant 0 : index
    %get3A_0 = arith.constant 0 : index
    %get3A_1 = vector.load %arg0[%get3A, %get3A_0] : memref<2048x1024xbf16, #tpu.memory_space<vmem>>, vector<2048x1024xbf16>
    %get3A_2 = arith.constant 0 : index
    %get3A_3 = arith.constant 0 : index
    %get3A_4 = vector.load %arg1[%get3A_2, %get3A_3] : memref<1024x64xf32, #tpu.memory_space<vmem>>, vector<1024x64xf32>
    %convert_element_type3A = arith.truncf %get3A_4 : vector<1024x64xf32> to vector<1024x64xbf16>
    %dot_general3A = arith.constant dense<0.000000e+00> : vector<2048x64xf32>
    %dot_general3A_5 = tpu.matmul %get3A_1, %convert_element_type3A, %dot_general3A {dimension_numbers = #tpu.dot_dimension_numbers<[1], [0], [0], [1], [0, 0, 1, 1], [], []>, transpose_lhs_hint = false} : vector<2048x1024xbf16>, vector<1024x64xbf16>, vector<2048x64xf32> -> vector<2048x64xf32>
    %get3A_6 = arith.constant 0 : index
    %get3A_7 = arith.constant 0 : index
    %get3A_8 = vector.load %arg2[%get3A_6, %get3A_7] : memref<1x64xf32, #tpu.memory_space<vmem>>, vector<1x64xf32>
    %add3A = vector.broadcast %get3A_8 : vector<1x64xf32> to vector<2048x64xf32>
    %add3A_9 = arith.addf %dot_general3A_5, %add3A : vector<2048x64xf32>
    %reduce_max3A = arith.constant dense<0xFF800000> : vector<2048xf32>
    %reduce_max3A_10 = vector.multi_reduction <maximumf>, %add3A_9, %reduce_max3A [1] : vector<2048x64xf32> to vector<2048xf32>
    %broadcast_in_dim3A = vector.shape_cast %reduce_max3A_10 : vector<2048xf32> to vector<2048x1xf32>
    %sub3A = vector.broadcast %broadcast_in_dim3A : vector<2048x1xf32> to vector<2048x64xf32>
    %sub3A_11 = arith.subf %add3A_9, %sub3A : vector<2048x64xf32>
    %exp3A = math.exp %sub3A_11 : vector<2048x64xf32>
    %reduce_sum3A = arith.constant dense<0.000000e+00> : vector<2048xf32>
    %reduce_sum3A_12 = vector.multi_reduction <add>, %exp3A, %reduce_sum3A [1] : vector<2048x64xf32> to vector<2048xf32>
    %broadcast_in_dim3A_13 = vector.shape_cast %reduce_sum3A_12 : vector<2048xf32> to vector<2048x1xf32>
    %div3A = vector.broadcast %broadcast_in_dim3A_13 : vector<2048x1xf32> to vector<2048x64xf32>
    %div3A_14 = arith.divf %exp3A, %div3A : vector<2048x64xf32>
    %iota3A = tpu.iota {dimensions = array<i32: 1>} : vector<2048x64xi32>
    %reduce_max3A_15 = arith.constant dense<0xFF800000> : vector<2048xf32>
    %reduce_max3A_16 = vector.multi_reduction <maximumf>, %div3A_14, %reduce_max3A_15 [1] : vector<2048x64xf32> to vector<2048xf32>
    %broadcast_in_dim3A_17 = vector.shape_cast %reduce_max3A_16 : vector<2048xf32> to vector<2048x1xf32>
    %eq3A = vector.broadcast %broadcast_in_dim3A_17 : vector<2048x1xf32> to vector<2048x64xf32>
    %eq3A_18 = arith.cmpf oeq, %div3A_14, %eq3A : vector<2048x64xf32>
    %jit3A = arith.constant 64 : i32
    %broadcast_in_dim3A_19 = vector.broadcast %jit3A : i32 to vector<2048x64xi32>
    %select_n3A = arith.select %eq3A_18, %iota3A, %broadcast_in_dim3A_19 : vector<2048x64xi1>, vector<2048x64xi32>
    %reduce_min3A = arith.constant dense<2147483647> : vector<2048xi32>
    %reduce_min3A_20 = vector.multi_reduction <minsi>, %select_n3A, %reduce_min3A [1] : vector<2048x64xi32> to vector<2048xi32>
    %broadcast_in_dim3A_21 = vector.shape_cast %reduce_min3A_20 : vector<2048xi32> to vector<2048x1xi32>
    %eq3A_22 = vector.broadcast %broadcast_in_dim3A_21 : vector<2048x1xi32> to vector<2048x64xi32>
    %eq3A_23 = arith.cmpi eq, %iota3A, %eq3A_22 : vector<2048x64xi32>
    %neg3A = arith.constant 0.000000e+00 : f32
    %neg3A_24 = arith.constant 1.000000e+30 : f32
    %neg3A_25 = arith.subf %neg3A, %neg3A_24 : f32
    %broadcast_in_dim3A_26 = vector.broadcast %neg3A_25 : f32 to vector<2048x64xf32>
    %select_n3A_27 = arith.select %eq3A_23, %broadcast_in_dim3A_26, %div3A_14 : vector<2048x64xi1>, vector<2048x64xf32>
    %reduce_max3A_28 = arith.constant dense<0xFF800000> : vector<2048xf32>
    %reduce_max3A_29 = vector.multi_reduction <maximumf>, %select_n3A_27, %reduce_max3A_28 [1] : vector<2048x64xf32> to vector<2048xf32>
    %broadcast_in_dim3A_30 = vector.shape_cast %reduce_max3A_29 : vector<2048xf32> to vector<2048x1xf32>
    %eq3A_31 = vector.broadcast %broadcast_in_dim3A_30 : vector<2048x1xf32> to vector<2048x64xf32>
    %eq3A_32 = arith.cmpf oeq, %select_n3A_27, %eq3A_31 : vector<2048x64xf32>
    %jit3A_33 = arith.constant 64 : i32
    %broadcast_in_dim3A_34 = vector.broadcast %jit3A_33 : i32 to vector<2048x64xi32>
    %select_n3A_35 = arith.select %eq3A_32, %iota3A, %broadcast_in_dim3A_34 : vector<2048x64xi1>, vector<2048x64xi32>
    %reduce_min3A_36 = arith.constant dense<2147483647> : vector<2048xi32>
    %reduce_min3A_37 = vector.multi_reduction <minsi>, %select_n3A_35, %reduce_min3A_36 [1] : vector<2048x64xi32> to vector<2048xi32>
    %broadcast_in_dim3A_38 = vector.shape_cast %reduce_min3A_37 : vector<2048xi32> to vector<2048x1xi32>
    %eq3A_39 = vector.broadcast %broadcast_in_dim3A_21 : vector<2048x1xi32> to vector<2048x64xi32>
    %eq3A_40 = arith.cmpi eq, %iota3A, %eq3A_39 : vector<2048x64xi32>
    %convert_element_type3A_41 = arith.extui %eq3A_40 : vector<2048x64xi1> to vector<2048x64xi32>
    %convert_element_type3A_42 = arith.sitofp %convert_element_type3A_41 : vector<2048x64xi32> to vector<2048x64xf32>
    %eq3A_43 = vector.broadcast %broadcast_in_dim3A_38 : vector<2048x1xi32> to vector<2048x64xi32>
    %eq3A_44 = arith.cmpi eq, %iota3A, %eq3A_43 : vector<2048x64xi32>
    %convert_element_type3A_45 = arith.extui %eq3A_44 : vector<2048x64xi1> to vector<2048x64xi32>
    %convert_element_type3A_46 = arith.sitofp %convert_element_type3A_45 : vector<2048x64xi32> to vector<2048x64xf32>
    %add3A_47 = arith.addf %convert_element_type3A_42, %convert_element_type3A_46 : vector<2048x64xf32>
    %reduce_sum3A_48 = arith.constant dense<0.000000e+00> : vector<64xf32>
    %reduce_sum3A_49 = vector.multi_reduction <add>, %add3A_47, %reduce_sum3A_48 [0] : vector<2048x64xf32> to vector<64xf32>
    %broadcast_in_dim3A_50 = vector.shape_cast %reduce_sum3A_49 : vector<64xf32> to vector<1x64xf32>
    %div3A_51 = arith.constant 4.096000e+03 : f32
    %div3A_52 = vector.broadcast %div3A_51 : f32 to vector<1x64xf32>
    %div3A_53 = arith.divf %broadcast_in_dim3A_50, %div3A_52 : vector<1x64xf32>
    %reduce_sum3A_54 = arith.constant dense<0.000000e+00> : vector<64xf32>
    %reduce_sum3A_55 = vector.multi_reduction <add>, %div3A_14, %reduce_sum3A_54 [0] : vector<2048x64xf32> to vector<64xf32>
    %broadcast_in_dim3A_56 = vector.shape_cast %reduce_sum3A_55 : vector<64xf32> to vector<1x64xf32>
    %div3A_57 = arith.constant 2.048000e+03 : f32
    %div3A_58 = vector.broadcast %div3A_57 : f32 to vector<1x64xf32>
    %div3A_59 = arith.divf %broadcast_in_dim3A_56, %div3A_58 : vector<1x64xf32>
    %mul3A = arith.mulf %div3A_53, %div3A_59 : vector<1x64xf32>
    %reduce_sum3A_60 = vector.shape_cast %mul3A : vector<1x64xf32> to vector<1x1x64xf32>
    %reduce_sum3A_61 = arith.constant dense<0.000000e+00> : vector<1xf32>
    %reduce_sum3A_62 = vector.multi_reduction <add>, %reduce_sum3A_60, %reduce_sum3A_61 [1, 2] : vector<1x1x64xf32> to vector<1xf32>
    %reduce_sum3A_63 = vector.shape_cast %reduce_sum3A_62 : vector<1xf32> to vector<1x1x1xf32>
    %reduce_sum3A_64 = vector.extract %reduce_sum3A_63[0, 0, 0] : f32 from vector<1x1x1xf32>
    %mul3A_65 = arith.constant 6.400000e+01 : f32
    %mul3A_66 = arith.mulf %reduce_sum3A_64, %mul3A_65 : f32
    %reshape3A = vector.broadcast %mul3A_66 : f32 to vector<1x1xf32>
    %swap3A = arith.constant 0 : index
    %swap3A_67 = arith.constant 0 : index
    %swap3A_68 = vector.load %arg3[%swap3A, %swap3A_67] : memref<1x1xf32, #tpu.memory_space<vmem>>, vector<1x1xf32>
    tpu.vector_store %arg3[%swap3A, %swap3A_67], %reshape3A {strides = array<i32>} : memref<1x1xf32, #tpu.memory_space<vmem>>, vector<1x1xf32>,
    return
  }
}

</mosaic_0001>

<sc_bundles>
// kernel: kernel.14.cloned.1.call-start
scs
__scs_entry_jumppad:
0x0: {  	(pc) =	sbr.rel $0x88, $3  }
0x1: {  	(tag) =	ssettag $0x0;
	lr =	simm.s32 $0x1  }
0x2: {  	[smem:$0x3F83] =	sst lr;
	_ =	strace $0xD0000000  }
0x3: {  	_ = 	snop  }
0x4: {  	_ = 	snop  }
0x5: {  	_ = 	snop  }
0x6: {  	_ = 	snop  }
0x7: {  	_ = 	snop  }
__scs_overlays_trampoline_lowered:
0x8: {  	[smem:$0x3F92] =	sst s0  }
0x9: {  	[smem:$0x3F93] =	sst s1  }
0xa: {  	[smem:$0x3F94] =	sst s2  }
0xb: {  	[smem:$0x3F95] =	sst s3  }
0xc: {  	[smem:$0x3F96] =	sst s4  }
0xd: {  	[smem:$0x3F97] =	sst s5  }
0xe: {  	[smem:$0x3F98] =	sst s6  }
0xf: {  	[smem:$0x3F99] =	sst s7  }
0x10: {  	[smem:$0x3F9A] =	sst s8  }
0x11: {  	[smem:$0x3F9B] =	sst s9;
	s0 =	simm.s32 @!p0 $0x0  }
0x12: {  	s1 =	sld [smem:$0x3F81];
	s0 =	simm.s32 @p0 $0x1  }
0x13: {  	[smem:$0x3F9C] =	sst s0;
	s0 =	simm.s32 @!p1 $0x0  }
0x14: {  	s2 =	sld [smem:$0x3F80];
	s0 =	simm.s32 @p1 $0x1  }
0x15: {  	[smem:$0x3F9D] =	sst s0;
	s0 =	simm.s32 @!p2 $0x0  }
0x16: {  	s3 =	sld [smem:$0x3FDB];
	s0 =	simm.s32 @p2 $0x1  }
0x17: {  	s4 =	simm.s32 $0x1BF5;
	[smem:$0x3F9F] =	sst s0  }
0x18: {  	s0 =	sld [smem:$0x3F82];
	_ =	swait.ge [sflag:s4], $0x0  }
0x19: {  	s7 =	sld [smem:$0x3F83]  }
0x1a: {  	s8 =	sadd.s32 $0xFFFFE003, lr  }
0x1b: {  	s9 =	sadd.s32 $0xFFFFFEF7, lr;
	s5 =	simm.s32 $0xFFFFFFFF;
	p2 =	slt.u32 s8, $0xFFFFF086  }
0x1c: {  	p1 =	slt.u32 s9, $0xF7A;
	s5 =	simm.s32 @!p2 $0x0  }
0x1d: {  	s5 =	simm.s32 @p1 $0x1;
	p0 =	seq.s32 s7, s2  }
0x1e: {  	s7 =	smul.u32 @!p0 $0xF7A, s2;
	p2 =	seq.s32 @!p0 s5, $0x0  }
0x1f: {  	s9 =	smul.u32 $0xF7A, s1;
	s8 =	simm.s32 @!p0 $0x1BF5;
	p2 =	por !p2, p0  }
0x20: {  	[sflag:s8] =	ssyncset.s32 @!p0 $0xFFFFF086;
	s6 =	sadd.s32 @!p0 s3, s7;
	s7 =	simm.s32 @!p0 $0x108  }
0x21: {  	s3 =	sadd.s32 s3, s9;
	s6 =	sadd.s32 @!p0 $0x88, s6;
	s7 =	simm.s32 @p2 $0x1082  }
0x22: {  	[simem:s7], [sflag:s8] =	dma.local @!p0 [hbm:s6], $0xF7A  }
0x23: {  	s9 =	sor.u32 $0xD0000000, s2;
	s6 =	simm.s32 $0x108;
	_ =	swait.ge @!p0 [sflag:s8], $0x0  }
0x24: {  	s3 =	sadd.s32 $0x88, s3;
	s6 =	simm.s32 @!p1 $0x1082;
	[sflag:s4] =	ssyncset.s32 $0xFFFFF086  }
0x25: {  	[simem:s6], [sflag:s4] =	dma.local [hbm:s3], $0xF7A  }
0x26: {  	[smem:$0x3F83] =	sst s1;
	(tag) =	ssettag s2;
	_ =	strace s9  }
0x27: {  	s1 =	sld [smem:$0x3F93]  }
0x28: {  	s2 =	sld [smem:$0x3F94]  }
0x29: {  	s4 =	sld [smem:$0x3F96]  }
0x2a: {  	p0 =	seq.s32 s5, $0x0;
	s5 =	sld [smem:$0x3F97]  }
0x2b: {  	s6 =	sld [smem:$0x3F98]  }
0x2c: {  	s7 =	sld [smem:$0x3F99]  }
0x2d: {  	s3 =	simm.s32 $0x108;
	s8 =	sld [smem:$0x3F9A]  }
0x2e: {  	s3 =	simm.s32 @!p0 $0x1082;
	s9 =	sld [smem:$0x3F9B]  }
0x2f: {  	lr =	sadd.s32 s0, s3;
	s0 =	sld [smem:$0x3F92]  }
0x30: {  	s3 =	sld [smem:$0x3F95]  }
0x31: {  	[smem:$0x3F9E] =	sst s10  }
0x32: {  	s10 =	sld [smem:$0x3F9C];
	_ =	sdelay $0x3  }
0x33: {  	p0 =	seq.s32 s10, $0x1;
	s10 =	sld [smem:$0x3F9E];
	_ =	sdelay $0x3  }
0x34: {  	[smem:$0x3F9E] =	sst s10  }
0x35: {  	s10 =	sld [smem:$0x3F9D];
	_ =	sdelay $0x3  }
0x36: {  	p1 =	seq.s32 s10, $0x1;
	s10 =	sld [smem:$0x3F9E];
	_ =	sdelay $0x3  }
0x37: {  	[smem:$0x3F9E] =	sst s10  }
0x38: {  	s10 =	sld [smem:$0x3F9F]  }
0x39: {  	_ = 	snop;
	(pc) =	sbr.ind lr, $3  }
0x3a: {  	_ = 	snop  }
0x3b: {  	_ = 	snop  }
0x3c: {  	p2 =	seq.s32 s10, $0x1;
	s10 =	sld [smem:$0x3F9E]  }
0x3d: {  	_ =	shalt  }
0x3e: {  	_ =	shalt  }
0x3f: {  	_ =	shalt  }
0x40: {  	_ =	shalt  }
0x41: {  	_ =	shalt  }
0x42: {  	_ =	shalt  }
0x43: {  	_ =	shalt  }
0x44: {  	_ =	shalt  }
0x45: {  	_ =	shalt  }
0x46: {  	_ =	shalt  }
0x47: {  	_ =	shalt  }
0x48: {  	_ =	shalt  }
0x49: {  	_ =	shalt  }
0x4a: {  	_ =	shalt  }
0x4b: {  	_ =	shalt  }
0x4c: {  	_ =	shalt  }
0x4d: {  	_ =	shalt  }
0x4e: {  	_ =	shalt  }
0x4f: {  	_ =	shalt  }
0x50: {  	_ =	shalt  }
0x51: {  	_ =	shalt  }
0x52: {  	_ =	shalt  }
0x53: {  	_ =	shalt  }
0x54: {  	_ =	shalt  }
0x55: {  	_ =	shalt  }
0x56: {  	_ =	shalt  }
0x57: {  	_ =	shalt  }
0x58: {  	_ =	shalt  }
0x59: {  	_ =	shalt  }
0x5a: {  	_ =	shalt  }
0x5b: {  	_ =	shalt  }
0x5c: {  	_ =	shalt  }
0x5d: {  	_ =	shalt  }
0x5e: {  	_ =	shalt  }
0x5f: {  	_ =	shalt  }
0x60: {  	_ =	shalt  }
0x61: {  	_ =	shalt  }
0x62: {  	_ =	shalt  }
0x63: {  	_ =	shalt  }
0x64: {  	_ =	shalt  }
0x65: {  	_ =	shalt  }
0x66: {  	_ =	shalt  }
0x67: {  	_ =	shalt  }
0x68: {  	_ =	shalt  }
0x69: {  	_ =	shalt  }
0x6a: {  	_ =	shalt  }
0x6b: {  	_ =	shalt  }
0x6c: {  	_ =	shalt  }
0x6d: {  	_ =	shalt  }
0x6e: {  	_ =	shalt  }
0x6f: {  	_ =	shalt  }
0x70: {  	_ =	shalt  }
0x71: {  	_ =	shalt  }
0x72: {  	_ =	shalt  }
0x73: {  	_ =	shalt  }
0x74: {  	_ =	shalt  }
0x75: {  	_ =	shalt  }
0x76: {  	_ =	shalt  }
0x77: {  	_ =	shalt  }
0x78: {  	_ =	shalt  }
0x79: {  	_ =	shalt  }
0x7a: {  	_ =	shalt  }
0x7b: {  	_ =	shalt  }
0x7c: {  	_ =	shalt  }
0x7d: {  	_ =	shalt  }
0x7e: {  	_ =	shalt  }
0x7f: {  	_ =	shalt  }
0x80: {  	_ =	shalt  }
0x81: {  	_ =	shalt  }
0x82: {  	_ =	shalt  }
0x83: {  	_ =	shalt  }
0x84: {  	_ =	shalt  }
0x85: {  	_ =	shalt  }
0x86: {  	_ =	shalt  }
0x87: {  	_ =	shalt  }
.Lfunc_end0:
.L_simem_size_0:
called_computation_lowered:
.L_overlay_start_0:
0x88: {  	s2 =	sld [smem:$0x3FD9]  }
0x89: {  	s3 =	sld [smem:$0x3FFE];
	_ =	sdelay $0x1  }
0x8a: {  	s1 =	srdreg.scid  }
0x8b: {  	s0 =	sand.u32 $0x1, s1  }
0x8c: {  	s16 =	sshll.u32 s0, $0xA;
	s2 =	sadd.s32 s3, s2  }
0x8d: {  	s2 =	sadd.s32 s2, s16  }
0x8e: {  	[smem:$0x3FAA] =	sst s2  }
0x8f: {  	_ = 	snop  }
0x90: {  	(tm) =	ssettm $0x1  }
0x91: {  	s17 =	sld [smem:$0x3FFB];
	_ =	sdelay $0x3  }
0x92: {  	_ =	strace s17  }
0x93: {  	s2 =	sld [smem:$0x3FFC];
	_ =	sdelay $0x3  }
0x94: {  	_ =	strace s2  }
0x95: {  	s2 =	sld [smem:$0x3FFD];
	_ =	sdelay $0x3  }
0x96: {  	_ =	strace s2  }
0x97: {  	_ =	strace $0x8FFFFFFF  }
0x98: {  	s18 =	sld [smem:$0x3FDB];
	_ =	sdelay $0x1  }
0x99: {  	s19 =	simm.s32 $_scs_section_size  }
0x9a: {  	s4 =	simm.s32 $_size__tile_overlayer_lowered;
	s5 =	simm.s32 $_tile_overlayer_lowered  }
0x9b: {  	s22 =	simm.s32 $0x1BFF;
	s21 =	sshll.u32 s5, $0x1;
	s2 =	sadd.s32 s19, s18  }
0x9c: {  	s6 =	simm.s32 $0x0;
	s20 =	sshll.u32 s4, $0x1;
	s4 =	sadd.s32 s21, s2  }
0x9d: {  	[timem:s6], [sflag:s22] =	dma.local [hbm:s4], s20  }
0x9e: {  	_ =	swait.ge [sflag:s22], s20  }
0x9f: {  	s3 =	ssub.s32 $0x0, s20;
	[sflag:s22] =	ssyncset.done $0x0  }
0xa0: {  	[sflag:s22] =	ssyncadd.s32 s3;
	_ =	sdelay $0x1  }
0xa1: {  	s23 =	simm.s32 $0x1B8B  }
0xa2: {  	_ =	swait.ge [sflag:s23], $0x1  }
0xa3: {  	[sflag:s23] =	ssyncset.done $0x0  }
0xa4: {  	s25 =	simm.s32 $0x1B8E;
	s24 =	sld [smem:$0x3FFE];
	[sflag:s23] =	ssyncadd.s32 $0xFFFFFFFF  }
0xa5: {  	s26 =	simm.s32 $execute0_lowered;
	[smem:$0x3FD2] =	sst s25  }
0xa6: {  	s4 =	sshll.u32 s26, $0x1;
	_ =	strace $0x80000046;
	[dreg:$0x1] =	wrdreg $0xFFFFFFFF  }
0xa7: {  	s28 =	simm.s32 $_size_execute0_lowered;
	s2 =	sadd.s32 s2, s4;
	[dreg:$0x0] =	wrdreg $0x0  }
0xa8: {  	s4 =	sshll.u32 s28, $0x1;
	[dreg:$0x2] =	wrdreg s2  }
0xa9: {  	[dreg:$0x3] =	wrdreg s4  }
0xaa: {  	[dreg:$0x4] =	wrdreg $0xC0  }
0xab: {  	_ =	task [dreg:s6], $0x5FFFF  }
0xac: {  	[dreg:$0x1] =	wrdreg $0xFFFFFFFF  }
0xad: {  	[dreg:$0x0] =	wrdreg $0x60  }
0xae: {  	[dreg:$0x2] =	wrdreg s24  }
0xaf: {  	[dreg:$0x3] =	wrdreg $0x9  }
0xb0: {  	_ =	task.clear_ibuf [dreg:s6], $0x4FFFF;
	_ =	strace $0x90000046  }
0xb1: {  	s29 =	simm.s32 $0x9;
	_ =	strace $0x80000048  }
0xb2: {  	_ =	swait.ge [sflag:s29], $0x1  }
0xb3: {  	[sflag:s29] =	ssyncadd.s32 $0xFFFFFFFF  }
0xb4: {  	_ =	strace $0x90000048  }
0xb5: {  	_ =	sfence  }
0xb6: {  	s30 =	sld [smem:$0x0];
	_ =	sdelay $0x2  }
0xb7: {  	s31 =	sshll.u32 s1, $0xD;
	s1 =	sshrl.u32 s1, $0x2  }
0xb8: {  	s3 =	sand.u32 $0x4000, s31;
	s1 =	sadd.s32 s1, s30  }
0xb9: {  	s0 =	sor.u32 s3, s0;
	s1 =	sshll.u32 s1, $0x11  }
0xba: {  	s0 =	sor.u32 s1, s0  }
0xbb: {  	s0 =	sadd.s32 $0x8F2B, s0  }
0xbc: {  	[sflag:s0] =	ssyncadd.remote.s32 $0x1  }
0xbd: {  	_ =	sfence.sel $0xFFFF  }
0xbe: {  	[dreg:$0x0] =	wrdreg $0xFFFFFFFF;
	(pc) =	sbr.abs _section_cstart, $3  }
0xbf: {  	[dreg:$0x1] =	wrdreg $0xFFFFFFFF  }
0xc0: {  	_ =	task.clear_ibuf [dreg:s6], $0x2FFFF;
	_ =	strace $0x9FFFFFFF  }
0xc1: {  	(tm) =	ssettm $0x7FFFFFFF  }
tec
execute0_lowered:
.L_overlay_start_1:
0x0: {  	(tag) =	ssettag $0x1  }
0x1: {  	s0 =	rddreg [dreg:$0x0];
	s1 =	srdreg.scid  }
0x2: {  	s2 =	simm.s32 $0x0;
	s3 =	stileid.u32;
	s18 =	simm.s32 $0x1  }
0x3: {  	s20 =	simm.s32 $0x880;
	s21 =	simm.s32 $0x1080;
	s22 =	simm.s32 $0x1880  }
0x4: {  	s23 =	simm.s32 $0x2080;
	s28 =	simm.s32 $0x4080;
	s29 =	simm.s32 $0x4880  }
0x5: {  	s30 =	simm.s32 $0x5080;
	s31 =	simm.s32 $0x5880;
	s11 =	simm.s32 $0x7880  }
0x6: {  	s12 =	simm.s32 $0x8080;
	s13 =	simm.s32 $0x8880;
	s14 =	simm.s32 $0x9080  }
0x7: {  	s15 =	simm.s32 $0x9880;
	s16 =	simm.s32 $0xA080;
	s17 =	simm.s32 $0xA880  }
0x8: {  	s1 =	sand.u32 $0x1, s1;
	[smem:$0x7FF] =	sst s2;
	s3 =	sshll.u32 s3, $0x8  }
0x9: {  	s6 =	sadd.s32 $0x8A00, s0;
	s8 =	sadd.s32 $0xA8C00, s0;
	s4 =	sshll.u32 s1, $0x7  }
0xa: {  	_ =	strace $0x80000047;
	s1 =	ssub.s32 $0x2, s1;
	s5 =	sor.u32 s4, s3  }
0xb: {  	s3 =	sadd.s32 $0x8C00, s0;
	s7 =	sshrl.u32 s1, $0x1;
	s4 =	sshrl.u32 s5, $0x3  }
0xc: {  	s1 =	ssub.s32 s1, s7;
	s24 =	sshll.u32 s5, $0x7;
	s9 =	sor.u32 $0x40, s5  }
0xd: {  	s5 =	sadd.s32 $0x8E00, s0;
	s4 =	sadd.s32 s6, s4;
	s7 =	sadd.s32 s8, s24  }
0xe: {  	s10 =	sshrl.u32 s9, $0x3;
	s9 =	sshll.u32 s9, $0x7;
	[dreg:$0x2] =	wrdreg s4  }
0xf: {  	s24 =	simm.s32 $0x2880;
	s4 =	sadd.s32 $0x8D00, s0;
	[dreg:$0x3] =	wrdreg s7  }
0x10: {  	s25 =	sadd.s32 s6, s10;
	s6 =	sadd.s32 $0x8F00, s0;
	s26 =	sadd.s32 s8, s9  }
0x11: {  	v2 =	vlaneseq.u32;
	s7 =	smax.u32 s1, $0x1;
	s8 =	simm.s32 $0x2;
	s0 =	simm.s32 $0x80  }
0x12: {  	vm0 =	vmmov $0xffff;
	v1 =	vshrl.u32 v2, $0x3;
	s10 =	simm.s32 $0x7080;
	s9 =	simm.s32 $0xB080;
	[dreg:$0x4] =	wrdreg s25  }
0x13: {  	v0 =	vand.u32 $0x7, v2;
	v2 =	vor.u32 $0x8, v2;
	v1 =	vmul.u32 $0x8, v1;
	[dreg:$0x5] =	wrdreg s26;
	s25 =	simm.s32 $0x3080;
	s26 =	simm.s32 $0x3880  }
.LBB2_1:
0x14: {  	s19 =	rddreg [dreg:$0x2]  }
0x15: {  	[tilespmem:s2], [sflag:$0x2] =	stream.linear.gather [hbm4b:s19+s2], $0x40, $0x38;
	[tilespmem:$0x10080] =	vst v63  }
0x16: {  	_ =	swait.ge [sflag:s8], $0x40  }
0x17: {  	[sflag:s8] =	ssyncset.done $0x0  }
0x18: {  	[sflag:s8] =	ssyncadd.s32 $0xFFFFFFC0  }
0x19: {  	v3 =	vld [tilespmem:$0x0];
	_ =	sdelay $0x4  }
0x1a: {  	v4 =	vshll.u32 v3, $0x3  }
0x1b: {  	v3 =	vand.u32 $0x7, v3;
	v4 =	vand.u32 $0xFFFFFFC0, v4  }
0x1c: {  	v3 =	vor.u32 v3, v4  }
0x1d: {  	v4 =	vperm.xlane v3, v0;
	_ =	sdelay $0x1  }
0x1e: {  	v4 =	vadd.s32 v1, v4;
	_ =	sdelay $0x4  }
0x1f: {  	[tilespmem:s0], [sflag:$0x1] =	stream.indirect_vreg.gather [hbm4b:s3+s2], $0x80, v4, vm0, $0xb8;
	[tilespmem:$0x10080] =	vst v63  }
0x20: {  	v3 =	vperm.xlane v3, v2  }
0x21: {  	[tilespmem:s20], [sflag:$0x1] =	stream.indirect_vreg.gather [hbm4b:s4+s2], $0x80, v4, vm0, $0xb8;
	[tilespmem:$0x10080] =	vst v63  }
0x22: {  	v3 =	vadd.s32 v1, v3  }
0x23: {  	[tilespmem:s21], [sflag:$0x1] =	stream.indirect_vreg.gather [hbm4b:s5+s2], $0x80, v4, vm0, $0xb8;
	[tilespmem:$0x10080] =	vst v63  }
0x24: {  	_ = 	snop  }
0x25: {  	[tilespmem:s22], [sflag:$0x1] =	stream.indirect_vreg.gather [hbm4b:s6+s2], $0x80, v4, vm0, $0xb8;
	[tilespmem:$0x10080] =	vst v63  }
0x26: {  	_ = 	snop  }
0x27: {  	[tilespmem:s23], [sflag:$0x1] =	stream.indirect_vreg.gather [hbm4b:s3+s2], $0x80, v3, vm0, $0xb8;
	[tilespmem:$0x10080] =	vst v63  }
0x28: {  	_ = 	snop  }
0x29: {  	[tilespmem:s24], [sflag:$0x1] =	stream.indirect_vreg.gather [hbm4b:s4+s2], $0x80, v3, vm0, $0xb8;
	[tilespmem:$0x10080] =	vst v63  }
0x2a: {  	_ = 	snop  }
0x2b: {  	[tilespmem:s25], [sflag:$0x1] =	stream.indirect_vreg.gather [hbm4b:s5+s2], $0x80, v3, vm0, $0xb8;
	[tilespmem:$0x10080] =	vst v63  }
0x2c: {  	_ = 	snop  }
0x2d: {  	[tilespmem:s26], [sflag:$0x1] =	stream.indirect_vreg.gather [hbm4b:s6+s2], $0x80, v3, vm0, $0xb8;
	[tilespmem:$0x10080] =	vst v63  }
0x2e: {  	v3 =	vld [tilespmem:$0x10];
	_ =	sdelay $0x4  }
0x2f: {  	v57 =	vshll.u32 v3, $0x3  }
0x30: {  	v3 =	vand.u32 $0x7, v3;
	v4 =	vand.u32 $0xFFFFFFC0, v57  }
0x31: {  	v3 =	vor.u32 v3, v4  }
0x32: {  	v4 =	vperm.xlane v3, v0;
	_ =	sdelay $0x1  }
0x33: {  	v4 =	vadd.s32 v1, v4;
	_ =	sdelay $0x4  }
0x34: {  	[tilespmem:s28], [sflag:$0x1] =	stream.indirect_vreg.gather [hbm4b:s3+s2], $0x80, v4, vm0, $0xb8;
	[tilespmem:$0x10080] =	vst v63  }
0x35: {  	v3 =	vperm.xlane v3, v2  }
0x36: {  	[tilespmem:s29], [sflag:$0x1] =	stream.indirect_vreg.gather [hbm4b:s4+s2], $0x80, v4, vm0, $0xb8;
	[tilespmem:$0x10080] =	vst v63  }
0x37: {  	v3 =	vadd.s32 v1, v3  }
0x38: {  	[tilespmem:s30], [sflag:$0x1] =	stream.indirect_vreg.gather [hbm4b:s5+s2], $0x80, v4, vm0, $0xb8;
	[tilespmem:$0x10080] =	vst v63  }
0x39: {  	_ = 	snop  }
0x3a: {  	[tilespmem:s31], [sflag:$0x1] =	stream.indirect_vreg.gather [hbm4b:s6+s2], $0x80, v4, vm0, $0xb8;
	[tilespmem:$0x10080] =	vst v63  }
0x3b: {  	s1 =	simm.s32 $0x6080  }
0x3c: {  	[tilespmem:s1], [sflag:$0x1] =	stream.indirect_vreg.gather [hbm4b:s3+s2], $0x80, v3, vm0, $0xb8;
	[tilespmem:$0x10080] =	vst v63  }
0x3d: {  	s1 =	simm.s32 $0x6880  }
0x3e: {  	[tilespmem:s1], [sflag:$0x1] =	stream.indirect_vreg.gather [hbm4b:s4+s2], $0x80, v3, vm0, $0xb8;
	[tilespmem:$0x10080] =	vst v63  }
0x3f: {  	_ = 	snop  }
0x40: {  	[tilespmem:s10], [sflag:$0x1] =	stream.indirect_vreg.gather [hbm4b:s5+s2], $0x80, v3, vm0, $0xb8;
	[tilespmem:$0x10080] =	vst v63  }
0x41: {  	_ = 	snop  }
0x42: {  	[tilespmem:s11], [sflag:$0x1] =	stream.indirect_vreg.gather [hbm4b:s6+s2], $0x80, v3, vm0, $0xb8;
	[tilespmem:$0x10080] =	vst v63  }
0x43: {  	v3 =	vld [tilespmem:$0x20];
	_ =	sdelay $0x4  }
0x44: {  	v58 =	vshll.u32 v3, $0x3  }
0x45: {  	v3 =	vand.u32 $0x7, v3;
	v4 =	vand.u32 $0xFFFFFFC0, v58  }
0x46: {  	v3 =	vor.u32 v3, v4  }
0x47: {  	v4 =	vperm.xlane v3, v0;
	_ =	sdelay $0x1  }
0x48: {  	v4 =	vadd.s32 v1, v4;
	_ =	sdelay $0x4  }
0x49: {  	[tilespmem:s12], [sflag:$0x1] =	stream.indirect_vreg.gather [hbm4b:s3+s2], $0x80, v4, vm0, $0xb8;
	[tilespmem:$0x10080] =	vst v63  }
0x4a: {  	v3 =	vperm.xlane v3, v2  }
0x4b: {  	[tilespmem:s13], [sflag:$0x1] =	stream.indirect_vreg.gather [hbm4b:s4+s2], $0x80, v4, vm0, $0xb8;
	[tilespmem:$0x10080] =	vst v63  }
0x4c: {  	v3 =	vadd.s32 v1, v3  }
0x4d: {  	[tilespmem:s14], [sflag:$0x1] =	stream.indirect_vreg.gather [hbm4b:s5+s2], $0x80, v4, vm0, $0xb8;
	[tilespmem:$0x10080] =	vst v63  }
0x4e: {  	_ = 	snop  }
0x4f: {  	[tilespmem:s15], [sflag:$0x1] =	stream.indirect_vreg.gather [hbm4b:s6+s2], $0x80, v4, vm0, $0xb8;
	[tilespmem:$0x10080] =	vst v63  }
0x50: {  	_ = 	snop  }
0x51: {  	[tilespmem:s16], [sflag:$0x1] =	stream.indirect_vreg.gather [hbm4b:s3+s2], $0x80, v3, vm0, $0xb8;
	[tilespmem:$0x10080] =	vst v63  }
0x52: {  	_ = 	snop  }
0x53: {  	[tilespmem:s17], [sflag:$0x1] =	stream.indirect_vreg.gather [hbm4b:s4+s2], $0x80, v3, vm0, $0xb8;
	[tilespmem:$0x10080] =	vst v63  }
0x54: {  	_ = 	snop  }
0x55: {  	[tilespmem:s9], [sflag:$0x1] =	stream.indirect_vreg.gather [hbm4b:s5+s2], $0x80, v3, vm0, $0xb8;
	[tilespmem:$0x10080] =	vst v63  }
0x56: {  	s19 =	simm.s32 $0xB880  }
0x57: {  	[tilespmem:s19], [sflag:$0x1] =	stream.indirect_vreg.gather [hbm4b:s6+s2], $0x80, v3, vm0, $0xb8;
	[tilespmem:$0x10080] =	vst v63  }
0x58: {  	v3 =	vld [tilespmem:$0x30];
	_ =	sdelay $0x4  }
0x59: {  	v59 =	vshll.u32 v3, $0x3  }
0x5a: {  	v3 =	vand.u32 $0x7, v3;
	v4 =	vand.u32 $0xFFFFFFC0, v59  }
0x5b: {  	v3 =	vor.u32 v3, v4  }
0x5c: {  	v4 =	vperm.xlane v3, v0;
	_ =	sdelay $0x1  }
0x5d: {  	v4 =	vadd.s32 v1, v4;
	_ =	sdelay $0x3  }
0x5e: {  	s19 =	simm.s32 $0xC080  }
0x5f: {  	[tilespmem:s19], [sflag:$0x1] =	stream.indirect_vreg.gather [hbm4b:s3+s2], $0x80, v4, vm0, $0xb8;
	[tilespmem:$0x10080] =	vst v63  }
0x60: {  	v3 =	vperm.xlane v3, v2;
	s19 =	simm.s32 $0xC880  }
0x61: {  	[tilespmem:s19], [sflag:$0x1] =	stream.indirect_vreg.gather [hbm4b:s4+s2], $0x80, v4, vm0, $0xb8;
	[tilespmem:$0x10080] =	vst v63  }
0x62: {  	v3 =	vadd.s32 v1, v3;
	s19 =	simm.s32 $0xD080  }
0x63: {  	[tilespmem:s19], [sflag:$0x1] =	stream.indirect_vreg.gather [hbm4b:s5+s2], $0x80, v4, vm0, $0xb8;
	[tilespmem:$0x10080] =	vst v63  }
0x64: {  	s19 =	simm.s32 $0xD880  }
0x65: {  	[tilespmem:s19], [sflag:$0x1] =	stream.indirect_vreg.gather [hbm4b:s6+s2], $0x80, v4, vm0, $0xb8;
	[tilespmem:$0x10080] =	vst v63  }
0x66: {  	s19 =	simm.s32 $0xE080  }
0x67: {  	[tilespmem:s19], [sflag:$0x1] =	stream.indirect_vreg.gather [hbm4b:s3+s2], $0x80, v3, vm0, $0xb8;
	[tilespmem:$0x10080] =	vst v63  }
0x68: {  	s19 =	simm.s32 $0xE880  }
0x69: {  	[tilespmem:s19], [sflag:$0x1] =	stream.indirect_vreg.gather [hbm4b:s4+s2], $0x80, v3, vm0, $0xb8;
	[tilespmem:$0x10080] =	vst v63  }
0x6a: {  	s19 =	simm.s32 $0xF080  }
0x6b: {  	[tilespmem:s19], [sflag:$0x1] =	stream.indirect_vreg.gather [hbm4b:s5+s2], $0x80, v3, vm0, $0xb8;
	[tilespmem:$0x10080] =	vst v63  }
0x6c: {  	s19 =	simm.s32 $0xF880  }
0x6d: {  	[tilespmem:s19], [sflag:$0x1] =	stream.indirect_vreg.gather [hbm4b:s6+s2], $0x80, v3, vm0, $0xb8;
	[tilespmem:$0x10080] =	vst v63  }
0x6e: {  	_ =	swait.ge [sflag:s18], $0x10000  }
0x6f: {  	[sflag:s18] =	ssyncset.done $0x0  }
0x70: {  	s19 =	rddreg [dreg:$0x3];
	[sflag:s18] =	ssyncadd.s32 $0xFFFF0000  }
0x71: {  	[hbm4b:s19+s2] =	stream.linear.scatter [tilespmem:s0], [sflag:$0x2], $0x10000, $0x38;
	[tilespmem:$0x10080] =	vst v63  }
0x72: {  	_ =	swait.ge [sflag:s8], $0x10000  }
0x73: {  	[sflag:s8] =	ssyncset.done $0x0  }
0x74: {  	s19 =	rddreg [dreg:$0x4];
	[sflag:s8] =	ssyncadd.s32 $0xFFFF0000  }
0x75: {  	[tilespmem:s2], [sflag:$0x2] =	stream.linear.gather [hbm4b:s19+s2], $0x40, $0x38;
	[tilespmem:$0x10080] =	vst v63  }
0x76: {  	_ =	swait.ge [sflag:s8], $0x40  }
0x77: {  	[sflag:s8] =	ssyncset.done $0x0  }
0x78: {  	[sflag:s8] =	ssyncadd.s32 $0xFFFFFFC0  }
0x79: {  	v3 =	vld [tilespmem:$0x0];
	_ =	sdelay $0x4  }
0x7a: {  	v60 =	vshll.u32 v3, $0x3  }
0x7b: {  	v3 =	vand.u32 $0x7, v3;
	v4 =	vand.u32 $0xFFFFFFC0, v60  }
0x7c: {  	v3 =	vor.u32 v3, v4  }
0x7d: {  	v4 =	vperm.xlane v3, v0;
	_ =	sdelay $0x1  }
0x7e: {  	v4 =	vadd.s32 v1, v4;
	_ =	sdelay $0x4  }
0x7f: {  	[tilespmem:s0], [sflag:$0x1] =	stream.indirect_vreg.gather [hbm4b:s3+s2], $0x80, v4, vm0, $0xb8;
	[tilespmem:$0x10080] =	vst v63  }
0x80: {  	v3 =	vperm.xlane v3, v2  }
0x81: {  	[tilespmem:s20], [sflag:$0x1] =	stream.indirect_vreg.gather [hbm4b:s4+s2], $0x80, v4, vm0, $0xb8;
	[tilespmem:$0x10080] =	vst v63  }
0x82: {  	v3 =	vadd.s32 v1, v3  }
0x83: {  	[tilespmem:s21], [sflag:$0x1] =	stream.indirect_vreg.gather [hbm4b:s5+s2], $0x80, v4, vm0, $0xb8;
	[tilespmem:$0x10080] =	vst v63  }
0x84: {  	_ = 	snop  }
0x85: {  	[tilespmem:s22], [sflag:$0x1] =	stream.indirect_vreg.gather [hbm4b:s6+s2], $0x80, v4, vm0, $0xb8;
	[tilespmem:$0x10080] =	vst v63  }
0x86: {  	_ = 	snop  }
0x87: {  	[tilespmem:s23], [sflag:$0x1] =	stream.indirect_vreg.gather [hbm4b:s3+s2], $0x80, v3, vm0, $0xb8;
	[tilespmem:$0x10080] =	vst v63  }
0x88: {  	_ = 	snop  }
0x89: {  	[tilespmem:s24], [sflag:$0x1] =	stream.indirect_vreg.gather [hbm4b:s4+s2], $0x80, v3, vm0, $0xb8;
	[tilespmem:$0x10080] =	vst v63  }
0x8a: {  	_ = 	snop  }
0x8b: {  	[tilespmem:s25], [sflag:$0x1] =	stream.indirect_vreg.gather [hbm4b:s5+s2], $0x80, v3, vm0, $0xb8;
	[tilespmem:$0x10080] =	vst v63  }
0x8c: {  	_ = 	snop  }
0x8d: {  	[tilespmem:s26], [sflag:$0x1] =	stream.indirect_vreg.gather [hbm4b:s6+s2], $0x80, v3, vm0, $0xb8;
	[tilespmem:$0x10080] =	vst v63  }
0x8e: {  	v3 =	vld [tilespmem:$0x10];
	_ =	sdelay $0x4  }
0x8f: {  	v61 =	vshll.u32 v3, $0x3  }
0x90: {  	v3 =	vand.u32 $0x7, v3;
	v4 =	vand.u32 $0xFFFFFFC0, v61  }
0x91: {  	v3 =	vor.u32 v3, v4  }
0x92: {  	v4 =	vperm.xlane v3, v0;
	_ =	sdelay $0x1  }
0x93: {  	v4 =	vadd.s32 v1, v4;
	_ =	sdelay $0x4  }
0x94: {  	[tilespmem:s28], [sflag:$0x1] =	stream.indirect_vreg.gather [hbm4b:s3+s2], $0x80, v4, vm0, $0xb8;
	[tilespmem:$0x10080] =	vst v63  }
0x95: {  	v3 =	vperm.xlane v3, v2  }
0x96: {  	[tilespmem:s29], [sflag:$0x1] =	stream.indirect_vreg.gather [hbm4b:s4+s2], $0x80, v4, vm0, $0xb8;
	[tilespmem:$0x10080] =	vst v63  }
0x97: {  	v3 =	vadd.s32 v1, v3  }
0x98: {  	[tilespmem:s30], [sflag:$0x1] =	stream.indirect_vreg.gather [hbm4b:s5+s2], $0x80, v4, vm0, $0xb8;
	[tilespmem:$0x10080] =	vst v63  }
0x99: {  	_ = 	snop  }
0x9a: {  	[tilespmem:s31], [sflag:$0x1] =	stream.indirect_vreg.gather [hbm4b:s6+s2], $0x80, v4, vm0, $0xb8;
	[tilespmem:$0x10080] =	vst v63  }
0x9b: {  	s19 =	simm.s32 $0x6080  }
0x9c: {  	[tilespmem:s19], [sflag:$0x1] =	stream.indirect_vreg.gather [hbm4b:s3+s2], $0x80, v3, vm0, $0xb8;
	[tilespmem:$0x10080] =	vst v63  }
0x9d: {  	_ = 	snop  }
0x9e: {  	[tilespmem:s1], [sflag:$0x1] =	stream.indirect_vreg.gather [hbm4b:s4+s2], $0x80, v3, vm0, $0xb8;
	[tilespmem:$0x10080] =	vst v63  }
0x9f: {  	_ = 	snop  }
0xa0: {  	[tilespmem:s10], [sflag:$0x1] =	stream.indirect_vreg.gather [hbm4b:s5+s2], $0x80, v3, vm0, $0xb8;
	[tilespmem:$0x10080] =	vst v63  }
0xa1: {  	_ = 	snop  }
0xa2: {  	[tilespmem:s11], [sflag:$0x1] =	stream.indirect_vreg.gather [hbm4b:s6+s2], $0x80, v3, vm0, $0xb8;
	[tilespmem:$0x10080] =	vst v63  }
0xa3: {  	v3 =	vld [tilespmem:$0x20];
	_ =	sdelay $0x4  }
0xa4: {  	v62 =	vshll.u32 v3, $0x3  }
0xa5: {  	v3 =	vand.u32 $0x7, v3;
	v4 =	vand.u32 $0xFFFFFFC0, v62  }
0xa6: {  	v3 =	vor.u32 v3, v4  }
0xa7: {  	v4 =	vperm.xlane v3, v0;
	_ =	sdelay $0x1  }
0xa8: {  	v4 =	vadd.s32 v1, v4;
	_ =	sdelay $0x4  }
0xa9: {  	[tilespmem:s12], [sflag:$0x1] =	stream.indirect_vreg.gather [hbm4b:s3+s2], $0x80, v4, vm0, $0xb8;
	[tilespmem:$0x10080] =	vst v63  }
0xaa: {  	v3 =	vperm.xlane v3, v2  }
0xab: {  	[tilespmem:s13], [sflag:$0x1] =	stream.indirect_vreg.gather [hbm4b:s4+s2], $0x80, v4, vm0, $0xb8;
	[tilespmem:$0x10080] =	vst v63  }
0xac: {  	v3 =	vadd.s32 v1, v3  }
0xad: {  	[tilespmem:s14], [sflag:$0x1] =	stream.indirect_vreg.gather [hbm4b:s5+s2], $0x80, v4, vm0, $0xb8;
	[tilespmem:$0x10080] =	vst v63  }
0xae: {  	_ = 	snop  }
0xaf: {  	[tilespmem:s15], [sflag:$0x1] =	stream.indirect_vreg.gather [hbm4b:s6+s2], $0x80, v4, vm0, $0xb8;
	[tilespmem:$0x10080] =	vst v63  }
0xb0: {  	_ = 	snop  }
0xb1: {  	[tilespmem:s16], [sflag:$0x1] =	stream.indirect_vreg.gather [hbm4b:s3+s2], $0x80, v3, vm0, $0xb8;
	[tilespmem:$0x10080] =	vst v63  }
0xb2: {  	_ = 	snop  }
0xb3: {  	[tilespmem:s17], [sflag:$0x1] =	stream.indirect_vreg.gather [hbm4b:s4+s2], $0x80, v3, vm0, $0xb8;
	[tilespmem:$0x10080] =	vst v63  }
0xb4: {  	_ = 	snop  }
0xb5: {  	[tilespmem:s9], [sflag:$0x1] =	stream.indirect_vreg.gather [hbm4b:s5+s2], $0x80, v3, vm0, $0xb8;
	[tilespmem:$0x10080] =	vst v63  }
0xb6: {  	s19 =	simm.s32 $0xB880  }
0xb7: {  	[tilespmem:s19], [sflag:$0x1] =	stream.indirect_vreg.gather [hbm4b:s6+s2], $0x80, v3, vm0, $0xb8;
	[tilespmem:$0x10080] =	vst v63  }
0xb8: {  	v3 =	vld [tilespmem:$0x30];
	_ =	sdelay $0x4  }
0xb9: {  	v63 =	vshll.u32 v3, $0x3  }
0xba: {  	v3 =	vand.u32 $0x7, v3;
	v4 =	vand.u32 $0xFFFFFFC0, v63  }
0xbb: {  	v3 =	vor.u32 v3, v4  }
0xbc: {  	v4 =	vperm.xlane v3, v0;
	_ =	sdelay $0x1  }
0xbd: {  	v4 =	vadd.s32 v1, v4;
	_ =	sdelay $0x3  }
0xbe: {  	s19 =	simm.s32 $0xC080  }
0xbf: {  	[tilespmem:s19], [sflag:$0x1] =	stream.indirect_vreg.gather [hbm4b:s3+s2], $0x80, v4, vm0, $0xb8;
	[tilespmem:$0x10080] =	vst v63  }
0xc0: {  	v3 =	vperm.xlane v3, v2;
	s19 =	simm.s32 $0xC880  }
0xc1: {  	[tilespmem:s19], [sflag:$0x1] =	stream.indirect_vreg.gather [hbm4b:s4+s2], $0x80, v4, vm0, $0xb8;
	[tilespmem:$0x10080] =	vst v63  }
0xc2: {  	v3 =	vadd.s32 v1, v3;
	s19 =	simm.s32 $0xD080  }
0xc3: {  	[tilespmem:s19], [sflag:$0x1] =	stream.indirect_vreg.gather [hbm4b:s5+s2], $0x80, v4, vm0, $0xb8;
	[tilespmem:$0x10080] =	vst v63  }
0xc4: {  	s19 =	simm.s32 $0xD880  }
0xc5: {  	[tilespmem:s19], [sflag:$0x1] =	stream.indirect_vreg.gather [hbm4b:s6+s2], $0x80, v4, vm0, $0xb8;
	[tilespmem:$0x10080] =	vst v63  }
0xc6: {  	s19 =	simm.s32 $0xE080  }
0xc7: {  	[tilespmem:s19], [sflag:$0x1] =	stream.indirect_vreg.gather [hbm4b:s3+s2], $0x80, v3, vm0, $0xb8;
	[tilespmem:$0x10080] =	vst v63  }
0xc8: {  	s19 =	simm.s32 $0xE880  }
0xc9: {  	[tilespmem:s19], [sflag:$0x1] =	stream.indirect_vreg.gather [hbm4b:s4+s2], $0x80, v3, vm0, $0xb8;
	[tilespmem:$0x10080] =	vst v63  }
0xca: {  	s19 =	simm.s32 $0xF080  }
0xcb: {  	[tilespmem:s19], [sflag:$0x1] =	stream.indirect_vreg.gather [hbm4b:s5+s2], $0x80, v3, vm0, $0xb8;
	[tilespmem:$0x10080] =	vst v63  }
0xcc: {  	s19 =	simm.s32 $0xF880  }
0xcd: {  	[tilespmem:s19], [sflag:$0x1] =	stream.indirect_vreg.gather [hbm4b:s6+s2], $0x80, v3, vm0, $0xb8;
	[tilespmem:$0x10080] =	vst v63  }
0xce: {  	_ =	swait.ge [sflag:s18], $0x10000  }
0xcf: {  	p0 =	sne.s32 s7, $0x1;
	[sflag:s18] =	ssyncset.done $0x0  }
.Ltmp0:
0xd0: {  	s1 =	rddreg [dreg:$0x5];
	[sflag:s18] =	ssyncadd.s32 $0xFFFF0000;
	(pc) =	sbr.rel @p0 .LBB2_1-.Ltmp0, $4  }
0xd1: {  	[hbm4b:s1+s2] =	stream.linear.scatter [tilespmem:s0], [sflag:$0x2], $0x10000, $0x38;
	[tilespmem:$0x10080] =	vst v63  }
0xd2: {  	_ =	swait.ge [sflag:s8], $0x10000  }
0xd3: {  	[sflag:s8] =	ssyncset.done $0x0  }
0xd4: {  	s7 =	sadd.s32 $0xFFFFFFFF, s7;
	[sflag:s8] =	ssyncadd.s32 $0xFFFF0000  }
0xd5: {  	_ =	sfence.sel $0x180000  }
0xd6: {  	[bflag:$0x0] =	sbarrier.arrive $0xFFFF  }
0xd7: {  	_ =	strace $0x90000047  }
0xd8: {  	s0 =	stileid.u32;
	[bflag:$0x2] =	sbarrier.arrive $0xFFFF  }
0xd9: {  	p0 =	sne.s32 s0, $0x0;
	s0 =	rddreg [dreg:$0x1]  }
0xda: {  	s0 =	sadd.s32 @!p0 $0x100000, s0  }
0xdb: {  	[sflag:s0] =	ssyncadd.tile.s32 @!p0 $0x1;
	_ =	shalt  }
.Lfunc_end2:
_tile_overlayer_lowered:
.L_overlay_start_2:
0xdc: {  	(tag) =	ssettag $0x2  }
0xdd: {  	s0 =	rddreg [dreg:$0x0];
	s2 =	stileid.u32  }
0xde: {  	s1 =	rddreg [dreg:$0x1];
	p0 =	sne.s32 s2, $0x0  }
0xdf: {  	s3 =	rddreg [dreg:$0x2];
	[bflag:$0x3] =	sbarrier.arrive $0xFFFF;
	s2 =	simm.s32 @!p0 $0x1C02  }
0xe0: {  	[timem:s3], [sflag:s2] =	dma.local @!p0 [hbm:s0], s1  }
0xe1: {  	s0 =	simm.s32 @!p0 $0x2  }
0xe2: {  	_ =	swait.ge @!p0 [sflag:s0], s1  }
0xe3: {  	s1 =	ssub.s32 @!p0 $0x0, s1;
	[sflag:s0] =	ssyncset.done @!p0 $0x0  }
0xe4: {  	[sflag:s0] =	ssyncadd.s32 @!p0 s1  }
0xe5: {  	[bflag:$0x3] =	sbarrier.arrive $0xFFFF  }
0xe6: {  	_ =	shalt  }

</sc_bundles>
